<compile_context>
chip_gen: v7x
topology: tpu7x:2x2x1
jax: 0.10.2.dev20260603
libtpu: 0.0.44.dev20260713+nightly
codegen_flags: <defaults>
</compile_context>

<pallas_src>
import functools

import jax
import jax.numpy as jnp
from jax import lax
from jax.experimental import pallas as pl
from jax.experimental.pallas import tpu as pltpu
from jax.experimental.pallas import tpu_sc as plsc

_G = 256
_D = 128
_GSD = 128
_H = 2 * _GSD
_TILE = 8192
_NPAD = 106496
_NW = 32
_RPW = _NPAD // _NW
_CHUNK = 416


def _mlp1(x_ref, w1_ref, b1_ref, g_ref, *, n_rows):
    i = pl.program_id(0)
    x = x_ref[...].astype(jnp.bfloat16)
    h = jax.lax.dot_general(x, w1_ref[...].astype(jnp.bfloat16),
                            (((1,), (1,)), ((), ())),
                            preferred_element_type=jnp.float32)
    h = h + b1_ref[...]
    g = h[:, _GSD:] * jax.nn.sigmoid(h[:, :_GSD])
    row = i * _TILE + jax.lax.broadcasted_iota(jnp.int32, (_TILE, 1), 0)
    g_ref[...] = jnp.where(row < n_rows, g, 0.0)


def _mlp2(p_ref, w2_ref, b2_ref, out_ref):
    p = p_ref[0] + p_ref[1]
    out = jax.lax.dot_general(p, w2_ref[...], (((1,), (1,)), ((), ())),
                              preferred_element_type=jnp.float32)
    out_ref[...] = out + b2_ref[...]


def _sc_segsum(g_hbm, idx_hbm, out_hbm, rows_v, idx_v, zeros_v, acc_sh):
    cid = lax.axis_index("c")
    sid = lax.axis_index("s")
    wid = cid * 16 + sid
    base = wid * _RPW

    @pl.when(sid == 0)
    def _zero():
        zeros_v[...] = jnp.zeros_like(zeros_v)
        pltpu.sync_copy(zeros_v, acc_sh)

    plsc.subcore_barrier()

    for c in range(_RPW // _CHUNK):
        off = base + c * _CHUNK
        pltpu.sync_copy(g_hbm.at[pl.ds(off, _CHUNK)], rows_v)
        pltpu.sync_copy(idx_hbm.at[pl.ds(off, _CHUNK)], idx_v)
        pltpu.sync_copy(rows_v, acc_sh.at[idx_v], add=True)

    plsc.subcore_barrier()

    @pl.when(sid == 0)
    def _drain():
        pltpu.sync_copy(acc_sh, out_hbm.at[cid])


def kernel(node_states, graph_idx, n_graphs, W1, b1, W2, b2):
    n = node_states.shape[0]
    nsteps = pl.cdiv(n, _TILE)
    idx = jnp.minimum(graph_idx.astype(jnp.int32), _G - 1)
    idx = jnp.pad(idx, (0, _NPAD - n), constant_values=_G - 1)

    g = pl.pallas_call(
        functools.partial(_mlp1, n_rows=n),
        grid=(nsteps,),
        in_specs=[
            pl.BlockSpec((_TILE, _D), lambda i: (i, 0)),
            pl.BlockSpec((_H, _D), lambda i: (0, 0)),
            pl.BlockSpec((1, _H), lambda i: (0, 0)),
        ],
        out_specs=pl.BlockSpec((_TILE, _GSD), lambda i: (i, 0)),
        out_shape=jax.ShapeDtypeStruct((_NPAD, _GSD), jnp.float32),
        compiler_params=pltpu.CompilerParams(
            dimension_semantics=("arbitrary",)),
    )(node_states, W1, b1.reshape(1, _H))

    mesh = plsc.VectorSubcoreMesh(core_axis_name="c", subcore_axis_name="s")
    partials = pl.kernel(
        _sc_segsum,
        mesh=mesh,
        out_type=jax.ShapeDtypeStruct((2, _G, _GSD), jnp.float32),
        scratch_types=[
            pltpu.VMEM((_CHUNK, _GSD), jnp.float32),
            pltpu.VMEM((_CHUNK,), jnp.int32),
            pltpu.VMEM((_G, _GSD), jnp.float32),
            pltpu.VMEM_SHARED((_G, _GSD), jnp.float32),
        ],
    )(g, idx)

    out = pl.pallas_call(
        _mlp2,
        grid=(1,),
        in_specs=[
            pl.BlockSpec((2, _G, _GSD), lambda i: (0, 0, 0)),
            pl.BlockSpec((_GSD, _GSD), lambda i: (0, 0)),
            pl.BlockSpec((1, _GSD), lambda i: (0, 0)),
        ],
        out_specs=pl.BlockSpec((_G, _GSD), lambda i: (0, 0)),
        out_shape=jax.ShapeDtypeStruct((_G, _GSD), jnp.float32),
    )(partials, W2, b2.reshape(1, _GSD))
    return out

# --- scband reference (transcript-rebuilt; emitter-appended) ---
"""Pipeline reference for scband-vsgmn-57509612093882 (READ-ONLY COPY).

The authoritative reference and input builder live on the scoring server;
editing this copy changes nothing except your own understanding.
"""

import jax, jax.numpy as jnp
import numpy as np

N = 100000
D = 128      # input node feature dim
GSD = 128    # graph state dim (node_hidden_sizes[-1] before gating doubles it)
H = 2 * GSD  # MLP1 output dim because gated=True
G = 256      # number of graphs in the batch


def setup_inputs(seed: int = 0) -> dict:
    key = jax.random.key(seed)
    k1, k2, k3, k4 = jax.random.split(key, 4)
    node_states = jax.random.normal(k1, (N, D), dtype=jnp.float32)
    graph_idx = jnp.sort(jax.random.randint(k2, (N,), 0, G))
    # MLP1: Linear(input_size[0]=128 -> 2*graph_state_dim=256) since gated=True
    W1 = jax.random.normal(k3, (H, D), dtype=jnp.float32) * 0.05
    b1 = jnp.zeros((H,), dtype=jnp.float32)
    # MLP2: Linear(graph_state_dim=128 -> graph_transform_sizes[-1]=128)
    W2 = jax.random.normal(k4, (GSD, GSD), dtype=jnp.float32) * 0.05
    b2 = jnp.zeros((GSD,), dtype=jnp.float32)
    return {
        "node_states": node_states,
        "graph_idx": graph_idx,
        "n_graphs": G,
        "W1": W1,
        "b1": b1,
        "W2": W2,
        "b2": b2,
    }


def reference(node_states, graph_idx, n_graphs, W1, b1, W2, b2):
    # GraphAggregator.forward (gated sum aggregation):
    # node_states_g = MLP1(node_states)
    node_states_g = node_states @ W1.T + b1  # [N, 2*GSD]
    gsd = node_states_g.shape[-1] // 2
    gates = jax.nn.sigmoid(node_states_g[:, :gsd])
    node_states_g = node_states_g[:, gsd:] * gates  # [N, GSD]
    # unsorted_segment_sum(node_states_g, graph_idx, n_graphs)
    graph_idx = jnp.minimum(graph_idx, n_graphs - 1)
    graph_states = jax.ops.segment_sum(node_states_g, graph_idx, num_segments=G)
    # MLP2 transform on graph representations
    graph_states = graph_states @ W2.T + b2  # [n_graphs, GSD]
    return graph_states

if __name__ == "__main__":
    import jax
    _d = setup_inputs()
    print(jax.jit(kernel)(*tuple(_d.values())))

</pallas_src>

<mosaic_0001>
#map = affine_map<(d0, d1) -> (0, 0)>
#map1 = affine_map<(d0, d1) -> (0)>
#map2 = affine_map<(d0, d1) -> (0, 0, 0)>
module attributes {stable_mosaic.version = 14 : i64} {
  func.func @_sc_segsum(%arg0: i32, %arg1: i32, %arg2: memref<106496x128xf32, #tpu.memory_space<hbm>>, %arg3: memref<106496xi32, #tpu.memory_space<hbm>>, %arg4: memref<2x256x128xf32, #tpu.memory_space<hbm>>, %arg5: memref<416x128xf32, #tpu.memory_space<vmem>>, %arg6: memref<416xi32, #tpu.memory_space<vmem>>, %arg7: memref<256x128xf32, #tpu.memory_space<vmem>>, %arg8: memref<256x128xf32, #tpu.memory_space<vmem_shared>>) attributes {dimension_semantics = [#tpu.dimension_semantics<core_parallel>, #tpu.dimension_semantics<subcore_parallel>], iteration_bounds = array<i64: 2, 16>, scalar_prefetch = 0 : i64, scratch_operands = 4 : i64, tpu.core_type = #tpu.core_type<sc_vector_subcore>, window_params = [{transform_indices = #map}, {transform_indices = #map1}, {transform_indices = #map2}]} {
    %mul3A = arith.constant 16 : i32
    %mul3A_0 = arith.muli %arg0, %mul3A : i32
    %add3A = arith.addi %mul3A_0, %arg1 : i32
    %mul3A_1 = arith.constant 3328 : i32
    %mul3A_2 = arith.muli %add3A, %mul3A_1 : i32
    %eq3A = arith.constant 0 : i32
    %eq3A_3 = arith.cmpi eq, %arg1, %eq3A : i32
    %convert_element_type3A = arith.extui %eq3A_3 : i1 to i32
    %cond3A = arith.constant 0 : i32
    %cond3A_4 = arith.cmpi ne, %convert_element_type3A, %cond3A : i32
    scf.if %cond3A_4 {
      %broadcast_in_dim3A = arith.constant 0.000000e+00 : f32
      %broadcast_in_dim3A_27 = vector.broadcast %broadcast_in_dim3A : f32 to vector<256x128xf32>
      %swap3A = arith.constant 0 : index
      %swap3A_28 = arith.constant 0 : index
      %swap3A_29 = tpu.vector_load %arg7[%swap3A, %swap3A_28] {strides = array<i32>} : memref<256x128xf32, #tpu.memory_space<vmem>>, vector<256x128xf32>,
      %swap3A_30 = vector.shape_cast %swap3A_29 : vector<256x128xf32> to vector<256x128xf32>
      %swap3A_31 = vector.shape_cast %broadcast_in_dim3A_27 : vector<256x128xf32> to vector<256x128xf32>
      tpu.vector_store %arg7[%swap3A, %swap3A_28], %swap3A_31 {strides = array<i32>} : memref<256x128xf32, #tpu.memory_space<vmem>>, vector<256x128xf32>,
      "tpu.region"() ({
        %run_scoped3A = tpu.sem_alloc : memref<!tpu.dma_semaphore, #tpu.memory_space<semaphore_mem>>
        tpu.enqueue_dma source(%arg7 : memref<256x128xf32, #tpu.memory_space<vmem>>) target(%arg8 : memref<256x128xf32, #tpu.memory_space<vmem_shared>>) target_semaphore(%run_scoped3A : memref<!tpu.dma_semaphore, #tpu.memory_space<semaphore_mem>>)
        tpu.wait_dma2 semaphore(%run_scoped3A : memref<!tpu.dma_semaphore, #tpu.memory_space<semaphore_mem>>) src(%arg7 : memref<256x128xf32, #tpu.memory_space<vmem>>) dst(%arg8 : memref<256x128xf32, #tpu.memory_space<vmem_shared>>)
        tpu.yield
      }) : () -> ()
    } else {
    }
    %barrier3A = arith.constant 0 : index
    tpu.barrier barrier_id(%barrier3A)
    %add3A_5 = arith.constant 0 : i32
    %add3A_6 = arith.addi %mul3A_2, %add3A_5 : i32
    "tpu.region"() ({
      %run_scoped3A = tpu.sem_alloc : memref<!tpu.dma_semaphore, #tpu.memory_space<semaphore_mem>>
      %dma_start3A = arith.constant 0 : i32
      %dma_start3A_27 = tpu.memref_slice %arg2[%add3A_6, %dma_start3A] : memref<106496x128xf32, #tpu.memory_space<hbm>> -> memref<416x128xf32, #tpu.memory_space<hbm>>
      %dma_start3A_28 = arith.constant 0 : i32
      %dma_start3A_29 = tpu.memref_slice %arg2[%add3A_6, %dma_start3A_28] : memref<106496x128xf32, #tpu.memory_space<hbm>> -> memref<416x128xf32, #tpu.memory_space<hbm>>
      tpu.enqueue_dma source(%dma_start3A_29 : memref<416x128xf32, #tpu.memory_space<hbm>>) target(%arg5 : memref<416x128xf32, #tpu.memory_space<vmem>>) target_semaphore(%run_scoped3A : memref<!tpu.dma_semaphore, #tpu.memory_space<semaphore_mem>>)
      %dma_wait3A = arith.constant 0 : i32
      %dma_wait3A_30 = tpu.memref_slice %arg2[%add3A_6, %dma_wait3A] : memref<106496x128xf32, #tpu.memory_space<hbm>> -> memref<416x128xf32, #tpu.memory_space<hbm>>
      %dma_wait3A_31 = arith.constant 0 : i32
      %dma_wait3A_32 = tpu.memref_slice %arg2[%add3A_6, %dma_wait3A_31] : memref<106496x128xf32, #tpu.memory_space<hbm>> -> memref<416x128xf32, #tpu.memory_space<hbm>>
      tpu.wait_dma2 semaphore(%run_scoped3A : memref<!tpu.dma_semaphore, #tpu.memory_space<semaphore_mem>>) src(%dma_wait3A_32 : memref<416x128xf32, #tpu.memory_space<hbm>>) dst(%arg5 : memref<416x128xf32, #tpu.memory_space<vmem>>)
      tpu.yield
    }) : () -> ()
    "tpu.region"() ({
      %run_scoped3A = tpu.sem_alloc : memref<!tpu.dma_semaphore, #tpu.memory_space<semaphore_mem>>
      %dma_start3A = tpu.memref_slice %arg3[%add3A_6] : memref<106496xi32, #tpu.memory_space<hbm>> -> memref<416xi32, #tpu.memory_space<hbm>>
      %dma_start3A_27 = tpu.memref_slice %arg3[%add3A_6] : memref<106496xi32, #tpu.memory_space<hbm>> -> memref<416xi32, #tpu.memory_space<hbm>>
      tpu.enqueue_dma source(%dma_start3A_27 : memref<416xi32, #tpu.memory_space<hbm>>) target(%arg6 : memref<416xi32, #tpu.memory_space<vmem>>) target_semaphore(%run_scoped3A : memref<!tpu.dma_semaphore, #tpu.memory_space<semaphore_mem>>)
      %dma_wait3A = tpu.memref_slice %arg3[%add3A_6] : memref<106496xi32, #tpu.memory_space<hbm>> -> memref<416xi32, #tpu.memory_space<hbm>>
      %dma_wait3A_28 = tpu.memref_slice %arg3[%add3A_6] : memref<106496xi32, #tpu.memory_space<hbm>> -> memref<416xi32, #tpu.memory_space<hbm>>
      tpu.wait_dma2 semaphore(%run_scoped3A : memref<!tpu.dma_semaphore, #tpu.memory_space<semaphore_mem>>) src(%dma_wait3A_28 : memref<416xi32, #tpu.memory_space<hbm>>) dst(%arg6 : memref<416xi32, #tpu.memory_space<vmem>>)
      tpu.yield
    }) : () -> ()
    "tpu.region"() ({
      %run_scoped3A = tpu.sem_alloc : memref<!tpu.dma_semaphore, #tpu.memory_space<semaphore_mem>>
      %dma_start3A = arith.constant 0 : i32
      %dma_start3A_27 = arith.constant 0 : i32
      %dma_start3A_28 = tpu.memref_slice %arg8[%dma_start3A, %dma_start3A_27] : memref<256x128xf32, #tpu.memory_space<vmem_shared>> -> memref<256x128xf32, #tpu.memory_space<vmem_shared>>
      tpu.enqueue_indirect_dma source(%arg5 : memref<416x128xf32, #tpu.memory_space<vmem>>) target(%dma_start3A_28 : memref<256x128xf32, #tpu.memory_space<vmem_shared>>) offsets(%arg6 : memref<416xi32, #tpu.memory_space<vmem>>) semaphore(%run_scoped3A : memref<!tpu.dma_semaphore, #tpu.memory_space<semaphore_mem>>) {add = true}
      %dma_wait3A = arith.constant 0 : i32
      %dma_wait3A_29 = arith.constant 0 : i32
      %dma_wait3A_30 = tpu.memref_slice %arg8[%dma_wait3A, %dma_wait3A_29] : memref<256x128xf32, #tpu.memory_space<vmem_shared>> -> memref<256x128xf32, #tpu.memory_space<vmem_shared>>
      tpu.wait_indirect_dma semaphore(%run_scoped3A : memref<!tpu.dma_semaphore, #tpu.memory_space<semaphore_mem>>) src(%arg5 : memref<416x128xf32, #tpu.memory_space<vmem>>) dst(%dma_wait3A_30 : memref<256x128xf32, #tpu.memory_space<vmem_shared>>)
      tpu.yield
    }) : () -> ()
    %add3A_7 = arith.constant 416 : i32
    %add3A_8 = arith.addi %mul3A_2, %add3A_7 : i32
    "tpu.region"() ({
      %run_scoped3A = tpu.sem_alloc : memref<!tpu.dma_semaphore, #tpu.memory_space<semaphore_mem>>
      %dma_start3A = arith.constant 0 : i32
      %dma_start3A_27 = tpu.memref_slice %arg2[%add3A_8, %dma_start3A] : memref<106496x128xf32, #tpu.memory_space<hbm>> -> memref<416x128xf32, #tpu.memory_space<hbm>>
      %dma_start3A_28 = arith.constant 0 : i32
      %dma_start3A_29 = tpu.memref_slice %arg2[%add3A_8, %dma_start3A_28] : memref<106496x128xf32, #tpu.memory_space<hbm>> -> memref<416x128xf32, #tpu.memory_space<hbm>>
      tpu.enqueue_dma source(%dma_start3A_29 : memref<416x128xf32, #tpu.memory_space<hbm>>) target(%arg5 : memref<416x128xf32, #tpu.memory_space<vmem>>) target_semaphore(%run_scoped3A : memref<!tpu.dma_semaphore, #tpu.memory_space<semaphore_mem>>)
      %dma_wait3A = arith.constant 0 : i32
      %dma_wait3A_30 = tpu.memref_slice %arg2[%add3A_8, %dma_wait3A] : memref<106496x128xf32, #tpu.memory_space<hbm>> -> memref<416x128xf32, #tpu.memory_space<hbm>>
      %dma_wait3A_31 = arith.constant 0 : i32
      %dma_wait3A_32 = tpu.memref_slice %arg2[%add3A_8, %dma_wait3A_31] : memref<106496x128xf32, #tpu.memory_space<hbm>> -> memref<416x128xf32, #tpu.memory_space<hbm>>
      tpu.wait_dma2 semaphore(%run_scoped3A : memref<!tpu.dma_semaphore, #tpu.memory_space<semaphore_mem>>) src(%dma_wait3A_32 : memref<416x128xf32, #tpu.memory_space<hbm>>) dst(%arg5 : memref<416x128xf32, #tpu.memory_space<vmem>>)
      tpu.yield
    }) : () -> ()
    "tpu.region"() ({
      %run_scoped3A = tpu.sem_alloc : memref<!tpu.dma_semaphore, #tpu.memory_space<semaphore_mem>>
      %dma_start3A = tpu.memref_slice %arg3[%add3A_8] : memref<106496xi32, #tpu.memory_space<hbm>> -> memref<416xi32, #tpu.memory_space<hbm>>
      %dma_start3A_27 = tpu.memref_slice %arg3[%add3A_8] : memref<106496xi32, #tpu.memory_space<hbm>> -> memref<416xi32, #tpu.memory_space<hbm>>
      tpu.enqueue_dma source(%dma_start3A_27 : memref<416xi32, #tpu.memory_space<hbm>>) target(%arg6 : memref<416xi32, #tpu.memory_space<vmem>>) target_semaphore(%run_scoped3A : memref<!tpu.dma_semaphore, #tpu.memory_space<semaphore_mem>>)
      %dma_wait3A = tpu.memref_slice %arg3[%add3A_8] : memref<106496xi32, #tpu.memory_space<hbm>> -> memref<416xi32, #tpu.memory_space<hbm>>
      %dma_wait3A_28 = tpu.memref_slice %arg3[%add3A_8] : memref<106496xi32, #tpu.memory_space<hbm>> -> memref<416xi32, #tpu.memory_space<hbm>>
      tpu.wait_dma2 semaphore(%run_scoped3A : memref<!tpu.dma_semaphore, #tpu.memory_space<semaphore_mem>>) src(%dma_wait3A_28 : memref<416xi32, #tpu.memory_space<hbm>>) dst(%arg6 : memref<416xi32, #tpu.memory_space<vmem>>)
      tpu.yield
    }) : () -> ()
    "tpu.region"() ({
      %run_scoped3A = tpu.sem_alloc : memref<!tpu.dma_semaphore, #tpu.memory_space<semaphore_mem>>
      %dma_start3A = arith.constant 0 : i32
      %dma_start3A_27 = arith.constant 0 : i32
      %dma_start3A_28 = tpu.memref_slice %arg8[%dma_start3A, %dma_start3A_27] : memref<256x128xf32, #tpu.memory_space<vmem_shared>> -> memref<256x128xf32, #tpu.memory_space<vmem_shared>>
      tpu.enqueue_indirect_dma source(%arg5 : memref<416x128xf32, #tpu.memory_space<vmem>>) target(%dma_start3A_28 : memref<256x128xf32, #tpu.memory_space<vmem_shared>>) offsets(%arg6 : memref<416xi32, #tpu.memory_space<vmem>>) semaphore(%run_scoped3A : memref<!tpu.dma_semaphore, #tpu.memory_space<semaphore_mem>>) {add = true}
      %dma_wait3A = arith.constant 0 : i32
      %dma_wait3A_29 = arith.constant 0 : i32
      %dma_wait3A_30 = tpu.memref_slice %arg8[%dma_wait3A, %dma_wait3A_29] : memref<256x128xf32, #tpu.memory_space<vmem_shared>> -> memref<256x128xf32, #tpu.memory_space<vmem_shared>>
      tpu.wait_indirect_dma semaphore(%run_scoped3A : memref<!tpu.dma_semaphore, #tpu.memory_space<semaphore_mem>>) src(%arg5 : memref<416x128xf32, #tpu.memory_space<vmem>>) dst(%dma_wait3A_30 : memref<256x128xf32, #tpu.memory_space<vmem_shared>>)
      tpu.yield
    }) : () -> ()
    %add3A_9 = arith.constant 832 : i32
    %add3A_10 = arith.addi %mul3A_2, %add3A_9 : i32
    "tpu.region"() ({
      %run_scoped3A = tpu.sem_alloc : memref<!tpu.dma_semaphore, #tpu.memory_space<semaphore_mem>>
      %dma_start3A = arith.constant 0 : i32
      %dma_start3A_27 = tpu.memref_slice %arg2[%add3A_10, %dma_start3A] : memref<106496x128xf32, #tpu.memory_space<hbm>> -> memref<416x128xf32, #tpu.memory_space<hbm>>
      %dma_start3A_28 = arith.constant 0 : i32
      %dma_start3A_29 = tpu.memref_slice %arg2[%add3A_10, %dma_start3A_28] : memref<106496x128xf32, #tpu.memory_space<hbm>> -> memref<416x128xf32, #tpu.memory_space<hbm>>
      tpu.enqueue_dma source(%dma_start3A_29 : memref<416x128xf32, #tpu.memory_space<hbm>>) target(%arg5 : memref<416x128xf32, #tpu.memory_space<vmem>>) target_semaphore(%run_scoped3A : memref<!tpu.dma_semaphore, #tpu.memory_space<semaphore_mem>>)
      %dma_wait3A = arith.constant 0 : i32
      %dma_wait3A_30 = tpu.memref_slice %arg2[%add3A_10, %dma_wait3A] : memref<106496x128xf32, #tpu.memory_space<hbm>> -> memref<416x128xf32, #tpu.memory_space<hbm>>
      %dma_wait3A_31 = arith.constant 0 : i32
      %dma_wait3A_32 = tpu.memref_slice %arg2[%add3A_10, %dma_wait3A_31] : memref<106496x128xf32, #tpu.memory_space<hbm>> -> memref<416x128xf32, #tpu.memory_space<hbm>>
      tpu.wait_dma2 semaphore(%run_scoped3A : memref<!tpu.dma_semaphore, #tpu.memory_space<semaphore_mem>>) src(%dma_wait3A_32 : memref<416x128xf32, #tpu.memory_space<hbm>>) dst(%arg5 : memref<416x128xf32, #tpu.memory_space<vmem>>)
      tpu.yield
    }) : () -> ()
    "tpu.region"() ({
      %run_scoped3A = tpu.sem_alloc : memref<!tpu.dma_semaphore, #tpu.memory_space<semaphore_mem>>
      %dma_start3A = tpu.memref_slice %arg3[%add3A_10] : memref<106496xi32, #tpu.memory_space<hbm>> -> memref<416xi32, #tpu.memory_space<hbm>>
      %dma_start3A_27 = tpu.memref_slice %arg3[%add3A_10] : memref<106496xi32, #tpu.memory_space<hbm>> -> memref<416xi32, #tpu.memory_space<hbm>>
      tpu.enqueue_dma source(%dma_start3A_27 : memref<416xi32, #tpu.memory_space<hbm>>) target(%arg6 : memref<416xi32, #tpu.memory_space<vmem>>) target_semaphore(%run_scoped3A : memref<!tpu.dma_semaphore, #tpu.memory_space<semaphore_mem>>)
      %dma_wait3A = tpu.memref_slice %arg3[%add3A_10] : memref<106496xi32, #tpu.memory_space<hbm>> -> memref<416xi32, #tpu.memory_space<hbm>>
      %dma_wait3A_28 = tpu.memref_slice %arg3[%add3A_10] : memref<106496xi32, #tpu.memory_space<hbm>> -> memref<416xi32, #tpu.memory_space<hbm>>
      tpu.wait_dma2 semaphore(%run_scoped3A : memref<!tpu.dma_semaphore, #tpu.memory_space<semaphore_mem>>) src(%dma_wait3A_28 : memref<416xi32, #tpu.memory_space<hbm>>) dst(%arg6 : memref<416xi32, #tpu.memory_space<vmem>>)
      tpu.yield
    }) : () -> ()
    "tpu.region"() ({
      %run_scoped3A = tpu.sem_alloc : memref<!tpu.dma_semaphore, #tpu.memory_space<semaphore_mem>>
      %dma_start3A = arith.constant 0 : i32
      %dma_start3A_27 = arith.constant 0 : i32
      %dma_start3A_28 = tpu.memref_slice %arg8[%dma_start3A, %dma_start3A_27] : memref<256x128xf32, #tpu.memory_space<vmem_shared>> -> memref<256x128xf32, #tpu.memory_space<vmem_shared>>
      tpu.enqueue_indirect_dma source(%arg5 : memref<416x128xf32, #tpu.memory_space<vmem>>) target(%dma_start3A_28 : memref<256x128xf32, #tpu.memory_space<vmem_shared>>) offsets(%arg6 : memref<416xi32, #tpu.memory_space<vmem>>) semaphore(%run_scoped3A : memref<!tpu.dma_semaphore, #tpu.memory_space<semaphore_mem>>) {add = true}
      %dma_wait3A = arith.constant 0 : i32
      %dma_wait3A_29 = arith.constant 0 : i32
      %dma_wait3A_30 = tpu.memref_slice %arg8[%dma_wait3A, %dma_wait3A_29] : memref<256x128xf32, #tpu.memory_space<vmem_shared>> -> memref<256x128xf32, #tpu.memory_space<vmem_shared>>
      tpu.wait_indirect_dma semaphore(%run_scoped3A : memref<!tpu.dma_semaphore, #tpu.memory_space<semaphore_mem>>) src(%arg5 : memref<416x128xf32, #tpu.memory_space<vmem>>) dst(%dma_wait3A_30 : memref<256x128xf32, #tpu.memory_space<vmem_shared>>)
      tpu.yield
    }) : () -> ()
    %add3A_11 = arith.constant 1248 : i32
    %add3A_12 = arith.addi %mul3A_2, %add3A_11 : i32
    "tpu.region"() ({
      %run_scoped3A = tpu.sem_alloc : memref<!tpu.dma_semaphore, #tpu.memory_space<semaphore_mem>>
      %dma_start3A = arith.constant 0 : i32
      %dma_start3A_27 = tpu.memref_slice %arg2[%add3A_12, %dma_start3A] : memref<106496x128xf32, #tpu.memory_space<hbm>> -> memref<416x128xf32, #tpu.memory_space<hbm>>
      %dma_start3A_28 = arith.constant 0 : i32
      %dma_start3A_29 = tpu.memref_slice %arg2[%add3A_12, %dma_start3A_28] : memref<106496x128xf32, #tpu.memory_space<hbm>> -> memref<416x128xf32, #tpu.memory_space<hbm>>
      tpu.enqueue_dma source(%dma_start3A_29 : memref<416x128xf32, #tpu.memory_space<hbm>>) target(%arg5 : memref<416x128xf32, #tpu.memory_space<vmem>>) target_semaphore(%run_scoped3A : memref<!tpu.dma_semaphore, #tpu.memory_space<semaphore_mem>>)
      %dma_wait3A = arith.constant 0 : i32
      %dma_wait3A_30 = tpu.memref_slice %arg2[%add3A_12, %dma_wait3A] : memref<106496x128xf32, #tpu.memory_space<hbm>> -> memref<416x128xf32, #tpu.memory_space<hbm>>
      %dma_wait3A_31 = arith.constant 0 : i32
      %dma_wait3A_32 = tpu.memref_slice %arg2[%add3A_12, %dma_wait3A_31] : memref<106496x128xf32, #tpu.memory_space<hbm>> -> memref<416x128xf32, #tpu.memory_space<hbm>>
      tpu.wait_dma2 semaphore(%run_scoped3A : memref<!tpu.dma_semaphore, #tpu.memory_space<semaphore_mem>>) src(%dma_wait3A_32 : memref<416x128xf32, #tpu.memory_space<hbm>>) dst(%arg5 : memref<416x128xf32, #tpu.memory_space<vmem>>)
      tpu.yield
    }) : () -> ()
    "tpu.region"() ({
      %run_scoped3A = tpu.sem_alloc : memref<!tpu.dma_semaphore, #tpu.memory_space<semaphore_mem>>
      %dma_start3A = tpu.memref_slice %arg3[%add3A_12] : memref<106496xi32, #tpu.memory_space<hbm>> -> memref<416xi32, #tpu.memory_space<hbm>>
      %dma_start3A_27 = tpu.memref_slice %arg3[%add3A_12] : memref<106496xi32, #tpu.memory_space<hbm>> -> memref<416xi32, #tpu.memory_space<hbm>>
      tpu.enqueue_dma source(%dma_start3A_27 : memref<416xi32, #tpu.memory_space<hbm>>) target(%arg6 : memref<416xi32, #tpu.memory_space<vmem>>) target_semaphore(%run_scoped3A : memref<!tpu.dma_semaphore, #tpu.memory_space<semaphore_mem>>)
      %dma_wait3A = tpu.memref_slice %arg3[%add3A_12] : memref<106496xi32, #tpu.memory_space<hbm>> -> memref<416xi32, #tpu.memory_space<hbm>>
      %dma_wait3A_28 = tpu.memref_slice %arg3[%add3A_12] : memref<106496xi32, #tpu.memory_space<hbm>> -> memref<416xi32, #tpu.memory_space<hbm>>
      tpu.wait_dma2 semaphore(%run_scoped3A : memref<!tpu.dma_semaphore, #tpu.memory_space<semaphore_mem>>) src(%dma_wait3A_28 : memref<416xi32, #tpu.memory_space<hbm>>) dst(%arg6 : memref<416xi32, #tpu.memory_space<vmem>>)
      tpu.yield
    }) : () -> ()
    "tpu.region"() ({
      %run_scoped3A = tpu.sem_alloc : memref<!tpu.dma_semaphore, #tpu.memory_space<semaphore_mem>>
      %dma_start3A = arith.constant 0 : i32
      %dma_start3A_27 = arith.constant 0 : i32
      %dma_start3A_28 = tpu.memref_slice %arg8[%dma_start3A, %dma_start3A_27] : memref<256x128xf32, #tpu.memory_space<vmem_shared>> -> memref<256x128xf32, #tpu.memory_space<vmem_shared>>
      tpu.enqueue_indirect_dma source(%arg5 : memref<416x128xf32, #tpu.memory_space<vmem>>) target(%dma_start3A_28 : memref<256x128xf32, #tpu.memory_space<vmem_shared>>) offsets(%arg6 : memref<416xi32, #tpu.memory_space<vmem>>) semaphore(%run_scoped3A : memref<!tpu.dma_semaphore, #tpu.memory_space<semaphore_mem>>) {add = true}
      %dma_wait3A = arith.constant 0 : i32
      %dma_wait3A_29 = arith.constant 0 : i32
      %dma_wait3A_30 = tpu.memref_slice %arg8[%dma_wait3A, %dma_wait3A_29] : memref<256x128xf32, #tpu.memory_space<vmem_shared>> -> memref<256x128xf32, #tpu.memory_space<vmem_shared>>
      tpu.wait_indirect_dma semaphore(%run_scoped3A : memref<!tpu.dma_semaphore, #tpu.memory_space<semaphore_mem>>) src(%arg5 : memref<416x128xf32, #tpu.memory_space<vmem>>) dst(%dma_wait3A_30 : memref<256x128xf32, #tpu.memory_space<vmem_shared>>)
      tpu.yield
    }) : () -> ()
    %add3A_13 = arith.constant 1664 : i32
    %add3A_14 = arith.addi %mul3A_2, %add3A_13 : i32
    "tpu.region"() ({
      %run_scoped3A = tpu.sem_alloc : memref<!tpu.dma_semaphore, #tpu.memory_space<semaphore_mem>>
      %dma_start3A = arith.constant 0 : i32
      %dma_start3A_27 = tpu.memref_slice %arg2[%add3A_14, %dma_start3A] : memref<106496x128xf32, #tpu.memory_space<hbm>> -> memref<416x128xf32, #tpu.memory_space<hbm>>
      %dma_start3A_28 = arith.constant 0 : i32
      %dma_start3A_29 = tpu.memref_slice %arg2[%add3A_14, %dma_start3A_28] : memref<106496x128xf32, #tpu.memory_space<hbm>> -> memref<416x128xf32, #tpu.memory_space<hbm>>
      tpu.enqueue_dma source(%dma_start3A_29 : memref<416x128xf32, #tpu.memory_space<hbm>>) target(%arg5 : memref<416x128xf32, #tpu.memory_space<vmem>>) target_semaphore(%run_scoped3A : memref<!tpu.dma_semaphore, #tpu.memory_space<semaphore_mem>>)
      %dma_wait3A = arith.constant 0 : i32
      %dma_wait3A_30 = tpu.memref_slice %arg2[%add3A_14, %dma_wait3A] : memref<106496x128xf32, #tpu.memory_space<hbm>> -> memref<416x128xf32, #tpu.memory_space<hbm>>
      %dma_wait3A_31 = arith.constant 0 : i32
      %dma_wait3A_32 = tpu.memref_slice %arg2[%add3A_14, %dma_wait3A_31] : memref<106496x128xf32, #tpu.memory_space<hbm>> -> memref<416x128xf32, #tpu.memory_space<hbm>>
      tpu.wait_dma2 semaphore(%run_scoped3A : memref<!tpu.dma_semaphore, #tpu.memory_space<semaphore_mem>>) src(%dma_wait3A_32 : memref<416x128xf32, #tpu.memory_space<hbm>>) dst(%arg5 : memref<416x128xf32, #tpu.memory_space<vmem>>)
      tpu.yield
    }) : () -> ()
    "tpu.region"() ({
      %run_scoped3A = tpu.sem_alloc : memref<!tpu.dma_semaphore, #tpu.memory_space<semaphore_mem>>
      %dma_start3A = tpu.memref_slice %arg3[%add3A_14] : memref<106496xi32, #tpu.memory_space<hbm>> -> memref<416xi32, #tpu.memory_space<hbm>>
      %dma_start3A_27 = tpu.memref_slice %arg3[%add3A_14] : memref<106496xi32, #tpu.memory_space<hbm>> -> memref<416xi32, #tpu.memory_space<hbm>>
      tpu.enqueue_dma source(%dma_start3A_27 : memref<416xi32, #tpu.memory_space<hbm>>) target(%arg6 : memref<416xi32, #tpu.memory_space<vmem>>) target_semaphore(%run_scoped3A : memref<!tpu.dma_semaphore, #tpu.memory_space<semaphore_mem>>)
      %dma_wait3A = tpu.memref_slice %arg3[%add3A_14] : memref<106496xi32, #tpu.memory_space<hbm>> -> memref<416xi32, #tpu.memory_space<hbm>>
      %dma_wait3A_28 = tpu.memref_slice %arg3[%add3A_14] : memref<106496xi32, #tpu.memory_space<hbm>> -> memref<416xi32, #tpu.memory_space<hbm>>
      tpu.wait_dma2 semaphore(%run_scoped3A : memref<!tpu.dma_semaphore, #tpu.memory_space<semaphore_mem>>) src(%dma_wait3A_28 : memref<416xi32, #tpu.memory_space<hbm>>) dst(%arg6 : memref<416xi32, #tpu.memory_space<vmem>>)
      tpu.yield
    }) : () -> ()
    "tpu.region"() ({
      %run_scoped3A = tpu.sem_alloc : memref<!tpu.dma_semaphore, #tpu.memory_space<semaphore_mem>>
      %dma_start3A = arith.constant 0 : i32
      %dma_start3A_27 = arith.constant 0 : i32
      %dma_start3A_28 = tpu.memref_slice %arg8[%dma_start3A, %dma_start3A_27] : memref<256x128xf32, #tpu.memory_space<vmem_shared>> -> memref<256x128xf32, #tpu.memory_space<vmem_shared>>
      tpu.enqueue_indirect_dma source(%arg5 : memref<416x128xf32, #tpu.memory_space<vmem>>) target(%dma_start3A_28 : memref<256x128xf32, #tpu.memory_space<vmem_shared>>) offsets(%arg6 : memref<416xi32, #tpu.memory_space<vmem>>) semaphore(%run_scoped3A : memref<!tpu.dma_semaphore, #tpu.memory_space<semaphore_mem>>) {add = true}
      %dma_wait3A = arith.constant 0 : i32
      %dma_wait3A_29 = arith.constant 0 : i32
      %dma_wait3A_30 = tpu.memref_slice %arg8[%dma_wait3A, %dma_wait3A_29] : memref<256x128xf32, #tpu.memory_space<vmem_shared>> -> memref<256x128xf32, #tpu.memory_space<vmem_shared>>
      tpu.wait_indirect_dma semaphore(%run_scoped3A : memref<!tpu.dma_semaphore, #tpu.memory_space<semaphore_mem>>) src(%arg5 : memref<416x128xf32, #tpu.memory_space<vmem>>) dst(%dma_wait3A_30 : memref<256x128xf32, #tpu.memory_space<vmem_shared>>)
      tpu.yield
    }) : () -> ()
    %add3A_15 = arith.constant 2080 : i32
    %add3A_16 = arith.addi %mul3A_2, %add3A_15 : i32
    "tpu.region"() ({
      %run_scoped3A = tpu.sem_alloc : memref<!tpu.dma_semaphore, #tpu.memory_space<semaphore_mem>>
      %dma_start3A = arith.constant 0 : i32
      %dma_start3A_27 = tpu.memref_slice %arg2[%add3A_16, %dma_start3A] : memref<106496x128xf32, #tpu.memory_space<hbm>> -> memref<416x128xf32, #tpu.memory_space<hbm>>
      %dma_start3A_28 = arith.constant 0 : i32
      %dma_start3A_29 = tpu.memref_slice %arg2[%add3A_16, %dma_start3A_28] : memref<106496x128xf32, #tpu.memory_space<hbm>> -> memref<416x128xf32, #tpu.memory_space<hbm>>
      tpu.enqueue_dma source(%dma_start3A_29 : memref<416x128xf32, #tpu.memory_space<hbm>>) target(%arg5 : memref<416x128xf32, #tpu.memory_space<vmem>>) target_semaphore(%run_scoped3A : memref<!tpu.dma_semaphore, #tpu.memory_space<semaphore_mem>>)
      %dma_wait3A = arith.constant 0 : i32
      %dma_wait3A_30 = tpu.memref_slice %arg2[%add3A_16, %dma_wait3A] : memref<106496x128xf32, #tpu.memory_space<hbm>> -> memref<416x128xf32, #tpu.memory_space<hbm>>
      %dma_wait3A_31 = arith.constant 0 : i32
      %dma_wait3A_32 = tpu.memref_slice %arg2[%add3A_16, %dma_wait3A_31] : memref<106496x128xf32, #tpu.memory_space<hbm>> -> memref<416x128xf32, #tpu.memory_space<hbm>>
      tpu.wait_dma2 semaphore(%run_scoped3A : memref<!tpu.dma_semaphore, #tpu.memory_space<semaphore_mem>>) src(%dma_wait3A_32 : memref<416x128xf32, #tpu.memory_space<hbm>>) dst(%arg5 : memref<416x128xf32, #tpu.memory_space<vmem>>)
      tpu.yield
    }) : () -> ()
    "tpu.region"() ({
      %run_scoped3A = tpu.sem_alloc : memref<!tpu.dma_semaphore, #tpu.memory_space<semaphore_mem>>
      %dma_start3A = tpu.memref_slice %arg3[%add3A_16] : memref<106496xi32, #tpu.memory_space<hbm>> -> memref<416xi32, #tpu.memory_space<hbm>>
      %dma_start3A_27 = tpu.memref_slice %arg3[%add3A_16] : memref<106496xi32, #tpu.memory_space<hbm>> -> memref<416xi32, #tpu.memory_space<hbm>>
      tpu.enqueue_dma source(%dma_start3A_27 : memref<416xi32, #tpu.memory_space<hbm>>) target(%arg6 : memref<416xi32, #tpu.memory_space<vmem>>) target_semaphore(%run_scoped3A : memref<!tpu.dma_semaphore, #tpu.memory_space<semaphore_mem>>)
      %dma_wait3A = tpu.memref_slice %arg3[%add3A_16] : memref<106496xi32, #tpu.memory_space<hbm>> -> memref<416xi32, #tpu.memory_space<hbm>>
      %dma_wait3A_28 = tpu.memref_slice %arg3[%add3A_16] : memref<106496xi32, #tpu.memory_space<hbm>> -> memref<416xi32, #tpu.memory_space<hbm>>
      tpu.wait_dma2 semaphore(%run_scoped3A : memref<!tpu.dma_semaphore, #tpu.memory_space<semaphore_mem>>) src(%dma_wait3A_28 : memref<416xi32, #tpu.memory_space<hbm>>) dst(%arg6 : memref<416xi32, #tpu.memory_space<vmem>>)
      tpu.yield
    }) : () -> ()
    "tpu.region"() ({
      %run_scoped3A = tpu.sem_alloc : memref<!tpu.dma_semaphore, #tpu.memory_space<semaphore_mem>>
      %dma_start3A = arith.constant 0 : i32
      %dma_start3A_27 = arith.constant 0 : i32
      %dma_start3A_28 = tpu.memref_slice %arg8[%dma_start3A, %dma_start3A_27] : memref<256x128xf32, #tpu.memory_space<vmem_shared>> -> memref<256x128xf32, #tpu.memory_space<vmem_shared>>
      tpu.enqueue_indirect_dma source(%arg5 : memref<416x128xf32, #tpu.memory_space<vmem>>) target(%dma_start3A_28 : memref<256x128xf32, #tpu.memory_space<vmem_shared>>) offsets(%arg6 : memref<416xi32, #tpu.memory_space<vmem>>) semaphore(%run_scoped3A : memref<!tpu.dma_semaphore, #tpu.memory_space<semaphore_mem>>) {add = true}
      %dma_wait3A = arith.constant 0 : i32
      %dma_wait3A_29 = arith.constant 0 : i32
      %dma_wait3A_30 = tpu.memref_slice %arg8[%dma_wait3A, %dma_wait3A_29] : memref<256x128xf32, #tpu.memory_space<vmem_shared>> -> memref<256x128xf32, #tpu.memory_space<vmem_shared>>
      tpu.wait_indirect_dma semaphore(%run_scoped3A : memref<!tpu.dma_semaphore, #tpu.memory_space<semaphore_mem>>) src(%arg5 : memref<416x128xf32, #tpu.memory_space<vmem>>) dst(%dma_wait3A_30 : memref<256x128xf32, #tpu.memory_space<vmem_shared>>)
      tpu.yield
    }) : () -> ()
    %add3A_17 = arith.constant 2496 : i32
    %add3A_18 = arith.addi %mul3A_2, %add3A_17 : i32
    "tpu.region"() ({
      %run_scoped3A = tpu.sem_alloc : memref<!tpu.dma_semaphore, #tpu.memory_space<semaphore_mem>>
      %dma_start3A = arith.constant 0 : i32
      %dma_start3A_27 = tpu.memref_slice %arg2[%add3A_18, %dma_start3A] : memref<106496x128xf32, #tpu.memory_space<hbm>> -> memref<416x128xf32, #tpu.memory_space<hbm>>
      %dma_start3A_28 = arith.constant 0 : i32
      %dma_start3A_29 = tpu.memref_slice %arg2[%add3A_18, %dma_start3A_28] : memref<106496x128xf32, #tpu.memory_space<hbm>> -> memref<416x128xf32, #tpu.memory_space<hbm>>
      tpu.enqueue_dma source(%dma_start3A_29 : memref<416x128xf32, #tpu.memory_space<hbm>>) target(%arg5 : memref<416x128xf32, #tpu.memory_space<vmem>>) target_semaphore(%run_scoped3A : memref<!tpu.dma_semaphore, #tpu.memory_space<semaphore_mem>>)
      %dma_wait3A = arith.constant 0 : i32
      %dma_wait3A_30 = tpu.memref_slice %arg2[%add3A_18, %dma_wait3A] : memref<106496x128xf32, #tpu.memory_space<hbm>> -> memref<416x128xf32, #tpu.memory_space<hbm>>
      %dma_wait3A_31 = arith.constant 0 : i32
      %dma_wait3A_32 = tpu.memref_slice %arg2[%add3A_18, %dma_wait3A_31] : memref<106496x128xf32, #tpu.memory_space<hbm>> -> memref<416x128xf32, #tpu.memory_space<hbm>>
      tpu.wait_dma2 semaphore(%run_scoped3A : memref<!tpu.dma_semaphore, #tpu.memory_space<semaphore_mem>>) src(%dma_wait3A_32 : memref<416x128xf32, #tpu.memory_space<hbm>>) dst(%arg5 : memref<416x128xf32, #tpu.memory_space<vmem>>)
      tpu.yield
    }) : () -> ()
    "tpu.region"() ({
      %run_scoped3A = tpu.sem_alloc : memref<!tpu.dma_semaphore, #tpu.memory_space<semaphore_mem>>
      %dma_start3A = tpu.memref_slice %arg3[%add3A_18] : memref<106496xi32, #tpu.memory_space<hbm>> -> memref<416xi32, #tpu.memory_space<hbm>>
      %dma_start3A_27 = tpu.memref_slice %arg3[%add3A_18] : memref<106496xi32, #tpu.memory_space<hbm>> -> memref<416xi32, #tpu.memory_space<hbm>>
      tpu.enqueue_dma source(%dma_start3A_27 : memref<416xi32, #tpu.memory_space<hbm>>) target(%arg6 : memref<416xi32, #tpu.memory_space<vmem>>) target_semaphore(%run_scoped3A : memref<!tpu.dma_semaphore, #tpu.memory_space<semaphore_mem>>)
      %dma_wait3A = tpu.memref_slice %arg3[%add3A_18] : memref<106496xi32, #tpu.memory_space<hbm>> -> memref<416xi32, #tpu.memory_space<hbm>>
      %dma_wait3A_28 = tpu.memref_slice %arg3[%add3A_18] : memref<106496xi32, #tpu.memory_space<hbm>> -> memref<416xi32, #tpu.memory_space<hbm>>
      tpu.wait_dma2 semaphore(%run_scoped3A : memref<!tpu.dma_semaphore, #tpu.memory_space<semaphore_mem>>) src(%dma_wait3A_28 : memref<416xi32, #tpu.memory_space<hbm>>) dst(%arg6 : memref<416xi32, #tpu.memory_space<vmem>>)
      tpu.yield
    }) : () -> ()
    "tpu.region"() ({
      %run_scoped3A = tpu.sem_alloc : memref<!tpu.dma_semaphore, #tpu.memory_space<semaphore_mem>>
      %dma_start3A = arith.constant 0 : i32
      %dma_start3A_27 = arith.constant 0 : i32
      %dma_start3A_28 = tpu.memref_slice %arg8[%dma_start3A, %dma_start3A_27] : memref<256x128xf32, #tpu.memory_space<vmem_shared>> -> memref<256x128xf32, #tpu.memory_space<vmem_shared>>
      tpu.enqueue_indirect_dma source(%arg5 : memref<416x128xf32, #tpu.memory_space<vmem>>) target(%dma_start3A_28 : memref<256x128xf32, #tpu.memory_space<vmem_shared>>) offsets(%arg6 : memref<416xi32, #tpu.memory_space<vmem>>) semaphore(%run_scoped3A : memref<!tpu.dma_semaphore, #tpu.memory_space<semaphore_mem>>) {add = true}
      %dma_wait3A = arith.constant 0 : i32
      %dma_wait3A_29 = arith.constant 0 : i32
      %dma_wait3A_30 = tpu.memref_slice %arg8[%dma_wait3A, %dma_wait3A_29] : memref<256x128xf32, #tpu.memory_space<vmem_shared>> -> memref<256x128xf32, #tpu.memory_space<vmem_shared>>
      tpu.wait_indirect_dma semaphore(%run_scoped3A : memref<!tpu.dma_semaphore, #tpu.memory_space<semaphore_mem>>) src(%arg5 : memref<416x128xf32, #tpu.memory_space<vmem>>) dst(%dma_wait3A_30 : memref<256x128xf32, #tpu.memory_space<vmem_shared>>)
      tpu.yield
    }) : () -> ()
    %add3A_19 = arith.constant 2912 : i32
    %add3A_20 = arith.addi %mul3A_2, %add3A_19 : i32
    "tpu.region"() ({
      %run_scoped3A = tpu.sem_alloc : memref<!tpu.dma_semaphore, #tpu.memory_space<semaphore_mem>>
      %dma_start3A = arith.constant 0 : i32
      %dma_start3A_27 = tpu.memref_slice %arg2[%add3A_20, %dma_start3A] : memref<106496x128xf32, #tpu.memory_space<hbm>> -> memref<416x128xf32, #tpu.memory_space<hbm>>
      %dma_start3A_28 = arith.constant 0 : i32
      %dma_start3A_29 = tpu.memref_slice %arg2[%add3A_20, %dma_start3A_28] : memref<106496x128xf32, #tpu.memory_space<hbm>> -> memref<416x128xf32, #tpu.memory_space<hbm>>
      tpu.enqueue_dma source(%dma_start3A_29 : memref<416x128xf32, #tpu.memory_space<hbm>>) target(%arg5 : memref<416x128xf32, #tpu.memory_space<vmem>>) target_semaphore(%run_scoped3A : memref<!tpu.dma_semaphore, #tpu.memory_space<semaphore_mem>>)
      %dma_wait3A = arith.constant 0 : i32
      %dma_wait3A_30 = tpu.memref_slice %arg2[%add3A_20, %dma_wait3A] : memref<106496x128xf32, #tpu.memory_space<hbm>> -> memref<416x128xf32, #tpu.memory_space<hbm>>
      %dma_wait3A_31 = arith.constant 0 : i32
      %dma_wait3A_32 = tpu.memref_slice %arg2[%add3A_20, %dma_wait3A_31] : memref<106496x128xf32, #tpu.memory_space<hbm>> -> memref<416x128xf32, #tpu.memory_space<hbm>>
      tpu.wait_dma2 semaphore(%run_scoped3A : memref<!tpu.dma_semaphore, #tpu.memory_space<semaphore_mem>>) src(%dma_wait3A_32 : memref<416x128xf32, #tpu.memory_space<hbm>>) dst(%arg5 : memref<416x128xf32, #tpu.memory_space<vmem>>)
      tpu.yield
    }) : () -> ()
    "tpu.region"() ({
      %run_scoped3A = tpu.sem_alloc : memref<!tpu.dma_semaphore, #tpu.memory_space<semaphore_mem>>
      %dma_start3A = tpu.memref_slice %arg3[%add3A_20] : memref<106496xi32, #tpu.memory_space<hbm>> -> memref<416xi32, #tpu.memory_space<hbm>>
      %dma_start3A_27 = tpu.memref_slice %arg3[%add3A_20] : memref<106496xi32, #tpu.memory_space<hbm>> -> memref<416xi32, #tpu.memory_space<hbm>>
      tpu.enqueue_dma source(%dma_start3A_27 : memref<416xi32, #tpu.memory_space<hbm>>) target(%arg6 : memref<416xi32, #tpu.memory_space<vmem>>) target_semaphore(%run_scoped3A : memref<!tpu.dma_semaphore, #tpu.memory_space<semaphore_mem>>)
      %dma_wait3A = tpu.memref_slice %arg3[%add3A_20] : memref<106496xi32, #tpu.memory_space<hbm>> -> memref<416xi32, #tpu.memory_space<hbm>>
      %dma_wait3A_28 = tpu.memref_slice %arg3[%add3A_20] : memref<106496xi32, #tpu.memory_space<hbm>> -> memref<416xi32, #tpu.memory_space<hbm>>
      tpu.wait_dma2 semaphore(%run_scoped3A : memref<!tpu.dma_semaphore, #tpu.memory_space<semaphore_mem>>) src(%dma_wait3A_28 : memref<416xi32, #tpu.memory_space<hbm>>) dst(%arg6 : memref<416xi32, #tpu.memory_space<vmem>>)
      tpu.yield
    }) : () -> ()
    "tpu.region"() ({
      %run_scoped3A = tpu.sem_alloc : memref<!tpu.dma_semaphore, #tpu.memory_space<semaphore_mem>>
      %dma_start3A = arith.constant 0 : i32
      %dma_start3A_27 = arith.constant 0 : i32
      %dma_start3A_28 = tpu.memref_slice %arg8[%dma_start3A, %dma_start3A_27] : memref<256x128xf32, #tpu.memory_space<vmem_shared>> -> memref<256x128xf32, #tpu.memory_space<vmem_shared>>
      tpu.enqueue_indirect_dma source(%arg5 : memref<416x128xf32, #tpu.memory_space<vmem>>) target(%dma_start3A_28 : memref<256x128xf32, #tpu.memory_space<vmem_shared>>) offsets(%arg6 : memref<416xi32, #tpu.memory_space<vmem>>) semaphore(%run_scoped3A : memref<!tpu.dma_semaphore, #tpu.memory_space<semaphore_mem>>) {add = true}
      %dma_wait3A = arith.constant 0 : i32
      %dma_wait3A_29 = arith.constant 0 : i32
      %dma_wait3A_30 = tpu.memref_slice %arg8[%dma_wait3A, %dma_wait3A_29] : memref<256x128xf32, #tpu.memory_space<vmem_shared>> -> memref<256x128xf32, #tpu.memory_space<vmem_shared>>
      tpu.wait_indirect_dma semaphore(%run_scoped3A : memref<!tpu.dma_semaphore, #tpu.memory_space<semaphore_mem>>) src(%arg5 : memref<416x128xf32, #tpu.memory_space<vmem>>) dst(%dma_wait3A_30 : memref<256x128xf32, #tpu.memory_space<vmem_shared>>)
      tpu.yield
    }) : () -> ()
    %barrier3A_21 = arith.constant 0 : index
    tpu.barrier barrier_id(%barrier3A_21)
    %eq3A_22 = arith.constant 0 : i32
    %eq3A_23 = arith.cmpi eq, %arg1, %eq3A_22 : i32
    %convert_element_type3A_24 = arith.extui %eq3A_23 : i1 to i32
    %cond3A_25 = arith.constant 0 : i32
    %cond3A_26 = arith.cmpi ne, %convert_element_type3A_24, %cond3A_25 : i32
    scf.if %cond3A_26 {
      "tpu.region"() ({
        %run_scoped3A = tpu.sem_alloc : memref<!tpu.dma_semaphore, #tpu.memory_space<semaphore_mem>>
        %dma_start3A = arith.constant 0 : i32
        %dma_start3A_27 = arith.constant 0 : i32
        %dma_start3A_28 = tpu.memref_slice %arg4[%arg0, %dma_start3A, %dma_start3A_27] : memref<2x256x128xf32, #tpu.memory_space<hbm>> -> memref<1x256x128xf32, #tpu.memory_space<hbm>>
        %dma_start3A_29 = tpu.memref_squeeze %dma_start3A_28 : memref<1x256x128xf32, #tpu.memory_space<hbm>> -> memref<256x128xf32, #tpu.memory_space<hbm>>
        tpu.enqueue_dma source(%arg8 : memref<256x128xf32, #tpu.memory_space<vmem_shared>>) target(%dma_start3A_29 : memref<256x128xf32, #tpu.memory_space<hbm>>) target_semaphore(%run_scoped3A : memref<!tpu.dma_semaphore, #tpu.memory_space<semaphore_mem>>)
        %dma_wait3A = arith.constant 0 : i32
        %dma_wait3A_30 = arith.constant 0 : i32
        %dma_wait3A_31 = tpu.memref_slice %arg4[%arg0, %dma_wait3A, %dma_wait3A_30] : memref<2x256x128xf32, #tpu.memory_space<hbm>> -> memref<1x256x128xf32, #tpu.memory_space<hbm>>
        %dma_wait3A_32 = tpu.memref_squeeze %dma_wait3A_31 : memref<1x256x128xf32, #tpu.memory_space<hbm>> -> memref<256x128xf32, #tpu.memory_space<hbm>>
        tpu.wait_dma2 semaphore(%run_scoped3A : memref<!tpu.dma_semaphore, #tpu.memory_space<semaphore_mem>>) src(%arg8 : memref<256x128xf32, #tpu.memory_space<vmem_shared>>) dst(%dma_wait3A_32 : memref<256x128xf32, #tpu.memory_space<hbm>>)
        tpu.yield
      }) : () -> ()
    } else {
    }
    return
  }
}

module attributes {stable_mosaic.version = 14 : i64} {
  func.func @_mlp2(%arg0: i32, %arg1: memref<2x256x128xf32, #tpu.memory_space<vmem>>, %arg2: memref<128x128xf32, #tpu.memory_space<vmem>>, %arg3: memref<1x128xf32, #tpu.memory_space<vmem>>, %arg4: memref<256x128xf32, #tpu.memory_space<vmem>>) attributes {dimension_semantics = [#tpu.dimension_semantics<arbitrary>], iteration_bounds = array<i64: 1>, scalar_prefetch = 0 : i64, scratch_operands = 0 : i64, tpu.core_type = #tpu.core_type<tc>, window_params = [{pipeline_mode = #tpu.pipeline_mode<synchronous>, transform_indices = @transform_0, window_bounds = array<i64: 2, 256, 128>}, {pipeline_mode = #tpu.pipeline_mode<synchronous>, transform_indices = @transform_1, window_bounds = array<i64: 128, 128>}, {pipeline_mode = #tpu.pipeline_mode<synchronous>, transform_indices = @transform_2, window_bounds = array<i64: 1, 128>}, {pipeline_mode = #tpu.pipeline_mode<synchronous>, transform_indices = @transform_3, window_bounds = array<i64: 256, 128>}]} {
    %get3A = arith.constant 0 : index
    %get3A_0 = arith.constant 0 : index
    %get3A_1 = arith.constant 0 : index
    %get3A_2 = vector.load %arg1[%get3A, %get3A_0, %get3A_1] : memref<2x256x128xf32, #tpu.memory_space<vmem>>, vector<1x256x128xf32>
    %get3A_3 = vector.shape_cast %get3A_2 : vector<1x256x128xf32> to vector<256x128xf32>
    %get3A_4 = arith.constant 1 : index
    %get3A_5 = arith.constant 0 : index
    %get3A_6 = arith.constant 0 : index
    %get3A_7 = vector.load %arg1[%get3A_4, %get3A_5, %get3A_6] : memref<2x256x128xf32, #tpu.memory_space<vmem>>, vector<1x256x128xf32>
    %get3A_8 = vector.shape_cast %get3A_7 : vector<1x256x128xf32> to vector<256x128xf32>
    %add3A = arith.addf %get3A_3, %get3A_8 : vector<256x128xf32>
    %get3A_9 = arith.constant 0 : index
    %get3A_10 = arith.constant 0 : index
    %get3A_11 = vector.load %arg2[%get3A_9, %get3A_10] : memref<128x128xf32, #tpu.memory_space<vmem>>, vector<128x128xf32>
    %dot_general3A = arith.constant dense<0.000000e+00> : vector<256x128xf32>
    %dot_general3A_12 = tpu.matmul %add3A, %get3A_11, %dot_general3A {dimension_numbers = #tpu.dot_dimension_numbers<[1], [1], [0], [0], [0, 0, 1, 0], [], []>, transpose_lhs_hint = false} : vector<256x128xf32>, vector<128x128xf32>, vector<256x128xf32> -> vector<256x128xf32>
    %get3A_13 = arith.constant 0 : index
    %get3A_14 = arith.constant 0 : index
    %get3A_15 = vector.load %arg3[%get3A_13, %get3A_14] : memref<1x128xf32, #tpu.memory_space<vmem>>, vector<1x128xf32>
    %add3A_16 = vector.broadcast %get3A_15 : vector<1x128xf32> to vector<256x128xf32>
    %add3A_17 = arith.addf %dot_general3A_12, %add3A_16 : vector<256x128xf32>
    %swap3A = arith.constant 0 : index
    %swap3A_18 = arith.constant 0 : index
    %swap3A_19 = vector.load %arg4[%swap3A, %swap3A_18] : memref<256x128xf32, #tpu.memory_space<vmem>>, vector<256x128xf32>
    tpu.vector_store %arg4[%swap3A, %swap3A_18], %add3A_17 {strides = array<i32>} : memref<256x128xf32, #tpu.memory_space<vmem>>, vector<256x128xf32>,
    return
  }
  func.func @transform_0(%arg0: i32) -> (i32, i32, i32) {
    %c0_i32 = arith.constant 0 : i32
    %c0_i32_0 = arith.constant 0 : i32
    %c0_i32_1 = arith.constant 0 : i32
    %c0_i32_2 = arith.constant 0 : i32
    return %c0_i32, %c0_i32_0, %c0_i32_1 : i32, i32, i32
  }
  func.func @transform_1(%arg0: i32) -> (i32, i32) {
    %c0_i32 = arith.constant 0 : i32
    %c0_i32_0 = arith.constant 0 : i32
    %c0_i32_1 = arith.constant 0 : i32
    return %c0_i32, %c0_i32_0 : i32, i32
  }
  func.func @transform_2(%arg0: i32) -> (i32, i32) {
    %c0_i32 = arith.constant 0 : i32
    %c0_i32_0 = arith.constant 0 : i32
    %c0_i32_1 = arith.constant 0 : i32
    return %c0_i32, %c0_i32_0 : i32, i32
  }
  func.func @transform_3(%arg0: i32) -> (i32, i32) {
    %c0_i32 = arith.constant 0 : i32
    %c0_i32_0 = arith.constant 0 : i32
    %c0_i32_1 = arith.constant 0 : i32
    return %c0_i32, %c0_i32_0 : i32, i32
  }
}

module attributes {stable_mosaic.version = 14 : i64} {
  func.func @_mlp1(%arg0: i32, %arg1: memref<8192x128xf32, #tpu.memory_space<vmem>>, %arg2: memref<256x128xf32, #tpu.memory_space<vmem>>, %arg3: memref<1x256xf32, #tpu.memory_space<vmem>>, %arg4: memref<8192x128xf32, #tpu.memory_space<vmem>>) attributes {dimension_semantics = [#tpu.dimension_semantics<arbitrary>], iteration_bounds = array<i64: 13>, scalar_prefetch = 0 : i64, scratch_operands = 0 : i64, tpu.core_type = #tpu.core_type<tc>, window_params = [{transform_indices = @transform_0, window_bounds = array<i64: 8192, 128>}, {pipeline_mode = #tpu.pipeline_mode<synchronous>, transform_indices = @transform_1, window_bounds = array<i64: 256, 128>}, {pipeline_mode = #tpu.pipeline_mode<synchronous>, transform_indices = @transform_2, window_bounds = array<i64: 1, 256>}, {transform_indices = @transform_3, window_bounds = array<i64: 8192, 128>}]} {
    %get3A = arith.constant 0 : index
    %get3A_0 = arith.constant 0 : index
    %get3A_1 = vector.load %arg1[%get3A, %get3A_0] : memref<8192x128xf32, #tpu.memory_space<vmem>>, vector<8192x128xf32>
    %convert_element_type3A = arith.truncf %get3A_1 : vector<8192x128xf32> to vector<8192x128xbf16>
    %get3A_2 = arith.constant 0 : index
    %get3A_3 = arith.constant 0 : index
    %get3A_4 = vector.load %arg2[%get3A_2, %get3A_3] : memref<256x128xf32, #tpu.memory_space<vmem>>, vector<256x128xf32>
    %convert_element_type3A_5 = arith.truncf %get3A_4 : vector<256x128xf32> to vector<256x128xbf16>
    %dot_general3A = arith.constant dense<0.000000e+00> : vector<8192x256xf32>
    %dot_general3A_6 = tpu.matmul %convert_element_type3A, %convert_element_type3A_5, %dot_general3A {dimension_numbers = #tpu.dot_dimension_numbers<[1], [1], [0], [0], [0, 0, 1, 0], [], []>, transpose_lhs_hint = false} : vector<8192x128xbf16>, vector<256x128xbf16>, vector<8192x256xf32> -> vector<8192x256xf32>
    %get3A_7 = arith.constant 0 : index
    %get3A_8 = arith.constant 0 : index
    %get3A_9 = vector.load %arg3[%get3A_7, %get3A_8] : memref<1x256xf32, #tpu.memory_space<vmem>>, vector<1x256xf32>
    %add3A = vector.broadcast %get3A_9 : vector<1x256xf32> to vector<8192x256xf32>
    %add3A_10 = arith.addf %dot_general3A_6, %add3A : vector<8192x256xf32>
    %slice3A = vector.extract_strided_slice %add3A_10 {offsets = [0, 128], sizes = [8192, 128], strides = [1, 1]} : vector<8192x256xf32> to vector<8192x128xf32>
    %slice3A_11 = vector.extract_strided_slice %add3A_10 {offsets = [0, 0], sizes = [8192, 128], strides = [1, 1]} : vector<8192x256xf32> to vector<8192x128xf32>
    %logistic3A = arith.negf %slice3A_11 : vector<8192x128xf32>
    %logistic3A_12 = math.exp %logistic3A : vector<8192x128xf32>
    %logistic3A_13 = arith.constant 1.000000e+00 : f32
    %logistic3A_14 = vector.broadcast %logistic3A_13 : f32 to vector<8192x128xf32>
    %logistic3A_15 = arith.addf %logistic3A_14, %logistic3A_12 : vector<8192x128xf32>
    %logistic3A_16 = arith.divf %logistic3A_14, %logistic3A_15 : vector<8192x128xf32>
    %mul3A = arith.mulf %slice3A, %logistic3A_16 : vector<8192x128xf32>
    %mul3A_17 = arith.constant 8192 : i32
    %mul3A_18 = arith.muli %arg0, %mul3A_17 : i32
    %iota3A = tpu.iota {dimensions = array<i32: 0>} : vector<8192x1xi32>
    %add3A_19 = vector.broadcast %mul3A_18 : i32 to vector<8192x1xi32>
    %add3A_20 = arith.addi %add3A_19, %iota3A : vector<8192x1xi32>
    %lt3A = arith.constant 100000 : i32
    %lt3A_21 = vector.broadcast %lt3A : i32 to vector<8192x1xi32>
    %lt3A_22 = arith.cmpi slt, %add3A_20, %lt3A_21 : vector<8192x1xi32>
    %jit3A = arith.constant 0.000000e+00 : f32
    %broadcast_in_dim3A = vector.shape_cast %lt3A_22 : vector<8192x1xi1> to vector<8192x1xi1>
    %broadcast_in_dim3A_23 = vector.broadcast %broadcast_in_dim3A : vector<8192x1xi1> to vector<8192x128xi1>
    %broadcast_in_dim3A_24 = vector.broadcast %jit3A : f32 to vector<8192x128xf32>
    %select_n3A = arith.select %broadcast_in_dim3A_23, %mul3A, %broadcast_in_dim3A_24 : vector<8192x128xi1>, vector<8192x128xf32>
    %swap3A = arith.constant 0 : index
    %swap3A_25 = arith.constant 0 : index
    %swap3A_26 = vector.load %arg4[%swap3A, %swap3A_25] : memref<8192x128xf32, #tpu.memory_space<vmem>>, vector<8192x128xf32>
    tpu.vector_store %arg4[%swap3A, %swap3A_25], %select_n3A {strides = array<i32>} : memref<8192x128xf32, #tpu.memory_space<vmem>>, vector<8192x128xf32>,
    return
  }
  func.func @transform_0(%arg0: i32) -> (i32, i32) {
    %c0_i32 = arith.constant 0 : i32
    %c0_i32_0 = arith.constant 0 : i32
    return %arg0, %c0_i32 : i32, i32
  }
  func.func @transform_1(%arg0: i32) -> (i32, i32) {
    %c0_i32 = arith.constant 0 : i32
    %c0_i32_0 = arith.constant 0 : i32
    %c0_i32_1 = arith.constant 0 : i32
    return %c0_i32, %c0_i32_0 : i32, i32
  }
  func.func @transform_2(%arg0: i32) -> (i32, i32) {
    %c0_i32 = arith.constant 0 : i32
    %c0_i32_0 = arith.constant 0 : i32
    %c0_i32_1 = arith.constant 0 : i32
    return %c0_i32, %c0_i32_0 : i32, i32
  }
  func.func @transform_3(%arg0: i32) -> (i32, i32) {
    %c0_i32 = arith.constant 0 : i32
    %c0_i32_0 = arith.constant 0 : i32
    return %arg0, %c0_i32 : i32, i32
  }
}

</mosaic_0001>

<sc_bundles>
// kernel: kernel.5.cloned.1.call-start
scs
__scs_entry_jumppad:
0x0: {  	(pc) =	sbr.rel $0x88, $3  }
0x1: {  	(tag) =	ssettag $0x0;
	lr =	simm.s32 $0x1  }
0x2: {  	[smem:$0x3F9B] =	sst lr;
	_ =	strace $0xD0000000  }
0x3: {  	_ = 	snop  }
0x4: {  	_ = 	snop  }
0x5: {  	_ = 	snop  }
0x6: {  	_ = 	snop  }
0x7: {  	_ = 	snop  }
__scs_overlays_trampoline_lowered:
0x8: {  	[smem:$0x3FAA] =	sst s0  }
0x9: {  	[smem:$0x3FAB] =	sst s1  }
0xa: {  	[smem:$0x3FAC] =	sst s2  }
0xb: {  	[smem:$0x3FAD] =	sst s3  }
0xc: {  	[smem:$0x3FAE] =	sst s4  }
0xd: {  	[smem:$0x3FAF] =	sst s5  }
0xe: {  	[smem:$0x3FB0] =	sst s6  }
0xf: {  	[smem:$0x3FB1] =	sst s7  }
0x10: {  	[smem:$0x3FB2] =	sst s8  }
0x11: {  	[smem:$0x3FB3] =	sst s9;
	s0 =	simm.s32 @!p0 $0x0  }
0x12: {  	s1 =	sld [smem:$0x3F99];
	s0 =	simm.s32 @p0 $0x1  }
0x13: {  	[smem:$0x3FB4] =	sst s0;
	s0 =	simm.s32 @!p1 $0x0  }
0x14: {  	s2 =	sld [smem:$0x3F98];
	s0 =	simm.s32 @p1 $0x1  }
0x15: {  	[smem:$0x3FB5] =	sst s0;
	s0 =	simm.s32 @!p2 $0x0  }
0x16: {  	s3 =	sld [smem:$0x3FDB];
	s0 =	simm.s32 @p2 $0x1  }
0x17: {  	s4 =	simm.s32 $0x1BF5;
	[smem:$0x3FB7] =	sst s0  }
0x18: {  	s0 =	sld [smem:$0x3F9A];
	_ =	swait.ge [sflag:s4], $0x0  }
0x19: {  	s7 =	sld [smem:$0x3F9B]  }
0x1a: {  	s8 =	sadd.s32 $0xFFFFE003, lr  }
0x1b: {  	s9 =	sadd.s32 $0xFFFFFEF7, lr;
	s5 =	simm.s32 $0xFFFFFFFF;
	p2 =	slt.u32 s8, $0xFFFFF086  }
0x1c: {  	p1 =	slt.u32 s9, $0xF7A;
	s5 =	simm.s32 @!p2 $0x0  }
0x1d: {  	s5 =	simm.s32 @p1 $0x1;
	p0 =	seq.s32 s7, s2  }
0x1e: {  	s7 =	smul.u32 @!p0 $0xF7A, s2;
	p2 =	seq.s32 @!p0 s5, $0x0  }
0x1f: {  	s9 =	smul.u32 $0xF7A, s1;
	s8 =	simm.s32 @!p0 $0x1BF5;
	p2 =	por !p2, p0  }
0x20: {  	[sflag:s8] =	ssyncset.s32 @!p0 $0xFFFFF086;
	s6 =	sadd.s32 @!p0 s3, s7;
	s7 =	simm.s32 @!p0 $0x108  }
0x21: {  	s3 =	sadd.s32 s3, s9;
	s6 =	sadd.s32 @!p0 $0x88, s6;
	s7 =	simm.s32 @p2 $0x1082  }
0x22: {  	[simem:s7], [sflag:s8] =	dma.local @!p0 [hbm:s6], $0xF7A  }
0x23: {  	s9 =	sor.u32 $0xD0000000, s2;
	s6 =	simm.s32 $0x108;
	_ =	swait.ge @!p0 [sflag:s8], $0x0  }
0x24: {  	s3 =	sadd.s32 $0x88, s3;
	s6 =	simm.s32 @!p1 $0x1082;
	[sflag:s4] =	ssyncset.s32 $0xFFFFF086  }
0x25: {  	[simem:s6], [sflag:s4] =	dma.local [hbm:s3], $0xF7A  }
0x26: {  	[smem:$0x3F9B] =	sst s1;
	(tag) =	ssettag s2;
	_ =	strace s9  }
0x27: {  	s1 =	sld [smem:$0x3FAB]  }
0x28: {  	s2 =	sld [smem:$0x3FAC]  }
0x29: {  	s4 =	sld [smem:$0x3FAE]  }
0x2a: {  	p0 =	seq.s32 s5, $0x0;
	s5 =	sld [smem:$0x3FAF]  }
0x2b: {  	s6 =	sld [smem:$0x3FB0]  }
0x2c: {  	s7 =	sld [smem:$0x3FB1]  }
0x2d: {  	s3 =	simm.s32 $0x108;
	s8 =	sld [smem:$0x3FB2]  }
0x2e: {  	s3 =	simm.s32 @!p0 $0x1082;
	s9 =	sld [smem:$0x3FB3]  }
0x2f: {  	lr =	sadd.s32 s0, s3;
	s0 =	sld [smem:$0x3FAA]  }
0x30: {  	s3 =	sld [smem:$0x3FAD]  }
0x31: {  	[smem:$0x3FB6] =	sst s10  }
0x32: {  	s10 =	sld [smem:$0x3FB4];
	_ =	sdelay $0x3  }
0x33: {  	p0 =	seq.s32 s10, $0x1;
	s10 =	sld [smem:$0x3FB6];
	_ =	sdelay $0x3  }
0x34: {  	[smem:$0x3FB6] =	sst s10  }
0x35: {  	s10 =	sld [smem:$0x3FB5];
	_ =	sdelay $0x3  }
0x36: {  	p1 =	seq.s32 s10, $0x1;
	s10 =	sld [smem:$0x3FB6];
	_ =	sdelay $0x3  }
0x37: {  	[smem:$0x3FB6] =	sst s10  }
0x38: {  	s10 =	sld [smem:$0x3FB7]  }
0x39: {  	_ = 	snop;
	(pc) =	sbr.ind lr, $3  }
0x3a: {  	_ = 	snop  }
0x3b: {  	_ = 	snop  }
0x3c: {  	p2 =	seq.s32 s10, $0x1;
	s10 =	sld [smem:$0x3FB6]  }
0x3d: {  	_ =	shalt  }
0x3e: {  	_ =	shalt  }
0x3f: {  	_ =	shalt  }
0x40: {  	_ =	shalt  }
0x41: {  	_ =	shalt  }
0x42: {  	_ =	shalt  }
0x43: {  	_ =	shalt  }
0x44: {  	_ =	shalt  }
0x45: {  	_ =	shalt  }
0x46: {  	_ =	shalt  }
0x47: {  	_ =	shalt  }
0x48: {  	_ =	shalt  }
0x49: {  	_ =	shalt  }
0x4a: {  	_ =	shalt  }
0x4b: {  	_ =	shalt  }
0x4c: {  	_ =	shalt  }
0x4d: {  	_ =	shalt  }
0x4e: {  	_ =	shalt  }
0x4f: {  	_ =	shalt  }
0x50: {  	_ =	shalt  }
0x51: {  	_ =	shalt  }
0x52: {  	_ =	shalt  }
0x53: {  	_ =	shalt  }
0x54: {  	_ =	shalt  }
0x55: {  	_ =	shalt  }
0x56: {  	_ =	shalt  }
0x57: {  	_ =	shalt  }
0x58: {  	_ =	shalt  }
0x59: {  	_ =	shalt  }
0x5a: {  	_ =	shalt  }
0x5b: {  	_ =	shalt  }
0x5c: {  	_ =	shalt  }
0x5d: {  	_ =	shalt  }
0x5e: {  	_ =	shalt  }
0x5f: {  	_ =	shalt  }
0x60: {  	_ =	shalt  }
0x61: {  	_ =	shalt  }
0x62: {  	_ =	shalt  }
0x63: {  	_ =	shalt  }
0x64: {  	_ =	shalt  }
0x65: {  	_ =	shalt  }
0x66: {  	_ =	shalt  }
0x67: {  	_ =	shalt  }
0x68: {  	_ =	shalt  }
0x69: {  	_ =	shalt  }
0x6a: {  	_ =	shalt  }
0x6b: {  	_ =	shalt  }
0x6c: {  	_ =	shalt  }
0x6d: {  	_ =	shalt  }
0x6e: {  	_ =	shalt  }
0x6f: {  	_ =	shalt  }
0x70: {  	_ =	shalt  }
0x71: {  	_ =	shalt  }
0x72: {  	_ =	shalt  }
0x73: {  	_ =	shalt  }
0x74: {  	_ =	shalt  }
0x75: {  	_ =	shalt  }
0x76: {  	_ =	shalt  }
0x77: {  	_ =	shalt  }
0x78: {  	_ =	shalt  }
0x79: {  	_ =	shalt  }
0x7a: {  	_ =	shalt  }
0x7b: {  	_ =	shalt  }
0x7c: {  	_ =	shalt  }
0x7d: {  	_ =	shalt  }
0x7e: {  	_ =	shalt  }
0x7f: {  	_ =	shalt  }
0x80: {  	_ =	shalt  }
0x81: {  	_ =	shalt  }
0x82: {  	_ =	shalt  }
0x83: {  	_ =	shalt  }
0x84: {  	_ =	shalt  }
0x85: {  	_ =	shalt  }
0x86: {  	_ =	shalt  }
0x87: {  	_ =	shalt  }
.Lfunc_end0:
.L_simem_size_0:
called_computation_lowered:
.L_overlay_start_0:
0x88: {  	s2 =	sld [smem:$0x3FD9]  }
0x89: {  	s3 =	sld [smem:$0x3FFE];
	_ =	sdelay $0x1  }
0x8a: {  	s1 =	srdreg.scid  }
0x8b: {  	s0 =	sand.u32 $0x1, s1  }
0x8c: {  	s16 =	sshll.u32 s0, $0xA;
	s2 =	sadd.s32 s3, s2  }
0x8d: {  	s2 =	sadd.s32 s2, s16  }
0x8e: {  	[smem:$0x3FC2] =	sst s2  }
0x8f: {  	_ = 	snop  }
0x90: {  	(tm) =	ssettm $0x1  }
0x91: {  	s17 =	sld [smem:$0x3FFB];
	_ =	sdelay $0x3  }
0x92: {  	_ =	strace s17  }
0x93: {  	s2 =	sld [smem:$0x3FFC];
	_ =	sdelay $0x3  }
0x94: {  	_ =	strace s2  }
0x95: {  	s2 =	sld [smem:$0x3FFD];
	_ =	sdelay $0x3  }
0x96: {  	_ =	strace s2  }
0x97: {  	_ =	strace $0x8FFFFFFF  }
0x98: {  	s18 =	sld [smem:$0x3FDB];
	_ =	sdelay $0x1  }
0x99: {  	s19 =	simm.s32 $_scs_section_size  }
0x9a: {  	s4 =	simm.s32 $_size__tile_overlayer_lowered;
	s5 =	simm.s32 $_tile_overlayer_lowered  }
0x9b: {  	s22 =	simm.s32 $0x1BFF;
	s21 =	sshll.u32 s5, $0x1;
	s2 =	sadd.s32 s19, s18  }
0x9c: {  	s6 =	simm.s32 $0x0;
	s20 =	sshll.u32 s4, $0x1;
	s4 =	sadd.s32 s21, s2  }
0x9d: {  	[timem:s6], [sflag:s22] =	dma.local [hbm:s4], s20  }
0x9e: {  	_ =	swait.ge [sflag:s22], s20  }
0x9f: {  	s3 =	ssub.s32 $0x0, s20;
	[sflag:s22] =	ssyncset.done $0x0  }
0xa0: {  	[sflag:s22] =	ssyncadd.s32 s3;
	_ =	sdelay $0x1  }
0xa1: {  	s23 =	simm.s32 $0x1B8B  }
0xa2: {  	_ =	swait.ge [sflag:s23], $0x1  }
0xa3: {  	[sflag:s23] =	ssyncset.done $0x0  }
0xa4: {  	s25 =	simm.s32 $0x1B8E;
	s24 =	sld [smem:$0x3FFE];
	[sflag:s23] =	ssyncadd.s32 $0xFFFFFFFF  }
0xa5: {  	s26 =	simm.s32 $execute0_lowered;
	[smem:$0x3FD2] =	sst s25  }
0xa6: {  	s4 =	sshll.u32 s26, $0x1;
	_ =	strace $0x80000046;
	[dreg:$0x1] =	wrdreg $0xFFFFFFFF  }
0xa7: {  	s28 =	simm.s32 $_size_execute0_lowered;
	s2 =	sadd.s32 s2, s4;
	[dreg:$0x0] =	wrdreg $0x0  }
0xa8: {  	s4 =	sshll.u32 s28, $0x1;
	[dreg:$0x2] =	wrdreg s2  }
0xa9: {  	[dreg:$0x3] =	wrdreg s4  }
0xaa: {  	[dreg:$0x4] =	wrdreg $0xC0  }
0xab: {  	_ =	task [dreg:s6], $0x5FFFF  }
0xac: {  	[dreg:$0x1] =	wrdreg $0xFFFFFFFF  }
0xad: {  	[dreg:$0x0] =	wrdreg $0x60  }
0xae: {  	[dreg:$0x2] =	wrdreg s24  }
0xaf: {  	[dreg:$0x3] =	wrdreg $0x152000  }
0xb0: {  	[dreg:$0x4] =	wrdreg $0x9  }
0xb1: {  	_ =	task.clear_ibuf [dreg:s6], $0x5FFFF;
	_ =	strace $0x90000046  }
0xb2: {  	s29 =	simm.s32 $0x9;
	_ =	strace $0x80000048  }
0xb3: {  	_ =	swait.ge [sflag:s29], $0x1  }
0xb4: {  	[sflag:s29] =	ssyncadd.s32 $0xFFFFFFFF  }
0xb5: {  	_ =	strace $0x90000048  }
0xb6: {  	_ =	sfence  }
0xb7: {  	s30 =	sld [smem:$0x0];
	_ =	sdelay $0x2  }
0xb8: {  	s31 =	sshll.u32 s1, $0xD;
	s1 =	sshrl.u32 s1, $0x2  }
0xb9: {  	s3 =	sand.u32 $0x4000, s31;
	s1 =	sadd.s32 s1, s30  }
0xba: {  	s0 =	sor.u32 s3, s0;
	s1 =	sshll.u32 s1, $0x11  }
0xbb: {  	s0 =	sor.u32 s1, s0  }
0xbc: {  	s0 =	sadd.s32 $0x8F2B, s0  }
0xbd: {  	[sflag:s0] =	ssyncadd.remote.s32 $0x1  }
0xbe: {  	_ =	sfence.sel $0xFFFF  }
0xbf: {  	[dreg:$0x0] =	wrdreg $0xFFFFFFFF;
	(pc) =	sbr.abs _section_cstart, $3  }
0xc0: {  	[dreg:$0x1] =	wrdreg $0xFFFFFFFF  }
0xc1: {  	_ =	task.clear_ibuf [dreg:s6], $0x2FFFF;
	_ =	strace $0x9FFFFFFF  }
0xc2: {  	(tm) =	ssettm $0x7FFFFFFF  }
0xc3: {  	_ =	shalt  }
tec
execute0_lowered:
.L_overlay_start_1:
0x0: {  	(tag) =	ssettag $0x1  }
0x1: {  	s3 =	rddreg [dreg:$0x0]  }
0x2: {  	s1 =	rddreg [dreg:$0x1];
	s4 =	srdreg.scid  }
0x3: {  	s0 =	rddreg [dreg:$0x2];
	s2 =	simm.s32 $0x0;
	s21 =	stileid.u32  }
0x4: {  	s4 =	sand.u32 $0x1, s4;
	[smem:$0x7FF] =	sst s2;
	s17 =	sadd.s32 $0x4200, s3  }
0x5: {  	s18 =	sadd.s32 $0xE00, s3;
	p0 =	sne.s32 s21, $0x0;
	s5 =	sshll.u32 s4, $0x4  }
0x6: {  	_ =	strace $0x80000047;
	s6 =	ssub.s32 $0x2, s4;
	s5 =	sor.u32 s21, s5  }
0x7: {  	s4 =	sshll.u32 s4, $0xC;
	s7 =	sshrl.u32 s6, $0x1;
	s16 =	smul.u32 $0xD00, s5  }
0x8: {  	s19 =	sadd.s32 s4, s3;
	s5 =	smul.u32 $0xD000, s5;
	s20 =	ssub.s32 s6, s7  }
0x9: {  	s21 =	simm.s32 $0xD200;
	s19 =	sadd.s32 $0x1A4200, s19;
	s20 =	smax.u32 s20, $0x1  }
0xa: {  	s3 =	sadd.s32 s17, s5;
	s22 =	sshrl.u32 s16, $0x3;
	s23 =	sadd.s32 $0x1A0, s16  }
0xb: {  	s26 =	sadd.s32 $0x340, s16;
	s10 =	sadd.s32 $0x4E0, s16;
	s11 =	sadd.s32 $0x680, s16  }
0xc: {  	s29 =	sadd.s32 $0x820, s16;
	s4 =	sadd.s32 s18, s22;
	s24 =	sshll.u32 s23, $0x4  }
0xd: {  	s25 =	sshrl.u32 s23, $0x3;
	s8 =	sshll.u32 s26, $0x4;
	s9 =	sshrl.u32 s26, $0x3  }
0xe: {  	s28 =	sshll.u32 s10, $0x4;
	s10 =	sshrl.u32 s10, $0x3;
	s12 =	sshll.u32 s11, $0x4  }
0xf: {  	s13 =	sshrl.u32 s11, $0x3;
	s14 =	sshll.u32 s29, $0x4;
	s15 =	sshrl.u32 s29, $0x3  }
0x10: {  	s22 =	sadd.s32 $0x9C0, s16;
	s23 =	sadd.s32 $0xB60, s16;
	s5 =	sadd.s32 s17, s24  }
0x11: {  	s6 =	sadd.s32 s18, s25;
	s7 =	sadd.s32 s17, s8;
	s8 =	sadd.s32 s18, s9  }
0x12: {  	s9 =	sadd.s32 s17, s28;
	s10 =	sadd.s32 s18, s10;
	s11 =	sadd.s32 s17, s12  }
.Ltmp0:
0x13: {  	s12 =	sadd.s32 s18, s13;
	s13 =	sadd.s32 s17, s14;
	(pc) =	sbr.rel .LBB2_1-.Ltmp0, $4  }
0x14: {  	s14 =	sadd.s32 s18, s15;
	s30 =	sshll.u32 s22, $0x4;
	s22 =	sshrl.u32 s22, $0x3  }
0x15: {  	s31 =	sshll.u32 s23, $0x4;
	s23 =	sshrl.u32 s23, $0x3;
	s24 =	simm.s32 $0x1A0  }
0x16: {  	s15 =	sadd.s32 s17, s30;
	s16 =	sadd.s32 s18, s22;
	s17 =	sadd.s32 s17, s31  }
0x17: {  	v0 =	vimm.f32 $0.0e+00;
	s18 =	sadd.s32 s18, s23;
	s22 =	simm.s32 $0x1;
	s23 =	simm.s32 $0xD000  }
.LBB2_3:
0x18: {  	[bflag:$0x0] =	sbarrier.arrive $0xFFFF  }
0x19: {  	[tilespmem:s2], [sflag:$0x1] =	stream.linear.gather [hbm4b:s3+s2], $0xD000, $0x38;
	[tilespmem:$0x15A00] =	vst v63  }
0x1a: {  	_ =	swait.ge [sflag:s22], $0xD000  }
0x1b: {  	[sflag:s22] =	ssyncset.done $0x0  }
0x1c: {  	[sflag:s22] =	ssyncadd.s32 $0xFFFF3000  }
0x1d: {  	[tilespmem:s23], [sflag:$0x1] =	stream.linear.gather [hbm4b:s4+s2], $0x1A0, $0x38;
	[tilespmem:$0x15A00] =	vst v63  }
0x1e: {  	_ =	swait.ge [sflag:s22], $0x1A0  }
0x1f: {  	[sflag:s22] =	ssyncset.done $0x0  }
0x20: {  	[sflag:s22] =	ssyncadd.s32 $0xFFFFFE60  }
0x21: {  	[spmem:s1] =	stream.indirect.scatter.add.f32 [tilespmem:s2], [sflag:$0x1], $0x80, s23, s24, $0xb8;
	[tilespmem:$0x15A00] =	vst v63  }
0x22: {  	_ =	swait.ge [sflag:s22], $0xD000  }
0x23: {  	[sflag:s22] =	ssyncset.done $0x0  }
0x24: {  	[sflag:s22] =	ssyncadd.s32 $0xFFFF3000  }
0x25: {  	[tilespmem:s2], [sflag:$0x1] =	stream.linear.gather [hbm4b:s5+s2], $0xD000, $0x38;
	[tilespmem:$0x15A00] =	vst v63  }
0x26: {  	_ =	swait.ge [sflag:s22], $0xD000  }
0x27: {  	[sflag:s22] =	ssyncset.done $0x0  }
0x28: {  	[sflag:s22] =	ssyncadd.s32 $0xFFFF3000  }
0x29: {  	[tilespmem:s23], [sflag:$0x1] =	stream.linear.gather [hbm4b:s6+s2], $0x1A0, $0x38;
	[tilespmem:$0x15A00] =	vst v63  }
0x2a: {  	_ =	swait.ge [sflag:s22], $0x1A0  }
0x2b: {  	[sflag:s22] =	ssyncset.done $0x0  }
0x2c: {  	[sflag:s22] =	ssyncadd.s32 $0xFFFFFE60  }
0x2d: {  	[spmem:s1] =	stream.indirect.scatter.add.f32 [tilespmem:s2], [sflag:$0x1], $0x80, s23, s24, $0xb8;
	[tilespmem:$0x15A00] =	vst v63  }
0x2e: {  	_ =	swait.ge [sflag:s22], $0xD000  }
0x2f: {  	[sflag:s22] =	ssyncset.done $0x0  }
0x30: {  	[sflag:s22] =	ssyncadd.s32 $0xFFFF3000  }
0x31: {  	[tilespmem:s2], [sflag:$0x1] =	stream.linear.gather [hbm4b:s7+s2], $0xD000, $0x38;
	[tilespmem:$0x15A00] =	vst v63  }
0x32: {  	_ =	swait.ge [sflag:s22], $0xD000  }
0x33: {  	[sflag:s22] =	ssyncset.done $0x0  }
0x34: {  	[sflag:s22] =	ssyncadd.s32 $0xFFFF3000  }
0x35: {  	[tilespmem:s23], [sflag:$0x1] =	stream.linear.gather [hbm4b:s8+s2], $0x1A0, $0x38;
	[tilespmem:$0x15A00] =	vst v63  }
0x36: {  	_ =	swait.ge [sflag:s22], $0x1A0  }
0x37: {  	[sflag:s22] =	ssyncset.done $0x0  }
0x38: {  	[sflag:s22] =	ssyncadd.s32 $0xFFFFFE60  }
0x39: {  	[spmem:s1] =	stream.indirect.scatter.add.f32 [tilespmem:s2], [sflag:$0x1], $0x80, s23, s24, $0xb8;
	[tilespmem:$0x15A00] =	vst v63  }
0x3a: {  	_ =	swait.ge [sflag:s22], $0xD000  }
0x3b: {  	[sflag:s22] =	ssyncset.done $0x0  }
0x3c: {  	[sflag:s22] =	ssyncadd.s32 $0xFFFF3000  }
0x3d: {  	[tilespmem:s2], [sflag:$0x1] =	stream.linear.gather [hbm4b:s9+s2], $0xD000, $0x38;
	[tilespmem:$0x15A00] =	vst v63  }
0x3e: {  	_ =	swait.ge [sflag:s22], $0xD000  }
0x3f: {  	[sflag:s22] =	ssyncset.done $0x0  }
0x40: {  	[sflag:s22] =	ssyncadd.s32 $0xFFFF3000  }
0x41: {  	[tilespmem:s23], [sflag:$0x1] =	stream.linear.gather [hbm4b:s10+s2], $0x1A0, $0x38;
	[tilespmem:$0x15A00] =	vst v63  }
0x42: {  	_ =	swait.ge [sflag:s22], $0x1A0  }
0x43: {  	[sflag:s22] =	ssyncset.done $0x0  }
0x44: {  	[sflag:s22] =	ssyncadd.s32 $0xFFFFFE60  }
0x45: {  	[spmem:s1] =	stream.indirect.scatter.add.f32 [tilespmem:s2], [sflag:$0x1], $0x80, s23, s24, $0xb8;
	[tilespmem:$0x15A00] =	vst v63  }
0x46: {  	_ =	swait.ge [sflag:s22], $0xD000  }
0x47: {  	[sflag:s22] =	ssyncset.done $0x0  }
0x48: {  	[sflag:s22] =	ssyncadd.s32 $0xFFFF3000  }
0x49: {  	[tilespmem:s2], [sflag:$0x1] =	stream.linear.gather [hbm4b:s11+s2], $0xD000, $0x38;
	[tilespmem:$0x15A00] =	vst v63  }
0x4a: {  	_ =	swait.ge [sflag:s22], $0xD000  }
0x4b: {  	[sflag:s22] =	ssyncset.done $0x0  }
0x4c: {  	[sflag:s22] =	ssyncadd.s32 $0xFFFF3000  }
0x4d: {  	[tilespmem:s23], [sflag:$0x1] =	stream.linear.gather [hbm4b:s12+s2], $0x1A0, $0x38;
	[tilespmem:$0x15A00] =	vst v63  }
0x4e: {  	_ =	swait.ge [sflag:s22], $0x1A0  }
0x4f: {  	[sflag:s22] =	ssyncset.done $0x0  }
0x50: {  	[sflag:s22] =	ssyncadd.s32 $0xFFFFFE60  }
0x51: {  	[spmem:s1] =	stream.indirect.scatter.add.f32 [tilespmem:s2], [sflag:$0x1], $0x80, s23, s24, $0xb8;
	[tilespmem:$0x15A00] =	vst v63  }
0x52: {  	_ =	swait.ge [sflag:s22], $0xD000  }
0x53: {  	[sflag:s22] =	ssyncset.done $0x0  }
0x54: {  	[sflag:s22] =	ssyncadd.s32 $0xFFFF3000  }
0x55: {  	[tilespmem:s2], [sflag:$0x1] =	stream.linear.gather [hbm4b:s13+s2], $0xD000, $0x38;
	[tilespmem:$0x15A00] =	vst v63  }
0x56: {  	_ =	swait.ge [sflag:s22], $0xD000  }
0x57: {  	[sflag:s22] =	ssyncset.done $0x0  }
0x58: {  	[sflag:s22] =	ssyncadd.s32 $0xFFFF3000  }
0x59: {  	[tilespmem:s23], [sflag:$0x1] =	stream.linear.gather [hbm4b:s14+s2], $0x1A0, $0x38;
	[tilespmem:$0x15A00] =	vst v63  }
0x5a: {  	_ =	swait.ge [sflag:s22], $0x1A0  }
0x5b: {  	[sflag:s22] =	ssyncset.done $0x0  }
0x5c: {  	[sflag:s22] =	ssyncadd.s32 $0xFFFFFE60  }
0x5d: {  	[spmem:s1] =	stream.indirect.scatter.add.f32 [tilespmem:s2], [sflag:$0x1], $0x80, s23, s24, $0xb8;
	[tilespmem:$0x15A00] =	vst v63  }
0x5e: {  	_ =	swait.ge [sflag:s22], $0xD000  }
0x5f: {  	[sflag:s22] =	ssyncset.done $0x0  }
0x60: {  	[sflag:s22] =	ssyncadd.s32 $0xFFFF3000  }
0x61: {  	[tilespmem:s2], [sflag:$0x1] =	stream.linear.gather [hbm4b:s15+s2], $0xD000, $0x38;
	[tilespmem:$0x15A00] =	vst v63  }
0x62: {  	_ =	swait.ge [sflag:s22], $0xD000  }
0x63: {  	[sflag:s22] =	ssyncset.done $0x0  }
0x64: {  	[sflag:s22] =	ssyncadd.s32 $0xFFFF3000  }
0x65: {  	[tilespmem:s23], [sflag:$0x1] =	stream.linear.gather [hbm4b:s16+s2], $0x1A0, $0x38;
	[tilespmem:$0x15A00] =	vst v63  }
0x66: {  	_ =	swait.ge [sflag:s22], $0x1A0  }
0x67: {  	[sflag:s22] =	ssyncset.done $0x0  }
0x68: {  	[sflag:s22] =	ssyncadd.s32 $0xFFFFFE60  }
0x69: {  	[spmem:s1] =	stream.indirect.scatter.add.f32 [tilespmem:s2], [sflag:$0x1], $0x80, s23, s24, $0xb8;
	[tilespmem:$0x15A00] =	vst v63  }
0x6a: {  	_ =	swait.ge [sflag:s22], $0xD000  }
0x6b: {  	[sflag:s22] =	ssyncset.done $0x0  }
0x6c: {  	[sflag:s22] =	ssyncadd.s32 $0xFFFF3000  }
0x6d: {  	[tilespmem:s2], [sflag:$0x1] =	stream.linear.gather [hbm4b:s17+s2], $0xD000, $0x38;
	[tilespmem:$0x15A00] =	vst v63  }
0x6e: {  	_ =	swait.ge [sflag:s22], $0xD000  }
0x6f: {  	[sflag:s22] =	ssyncset.done $0x0  }
0x70: {  	[sflag:s22] =	ssyncadd.s32 $0xFFFF3000  }
0x71: {  	[tilespmem:s23], [sflag:$0x1] =	stream.linear.gather [hbm4b:s18+s2], $0x1A0, $0x38;
	[tilespmem:$0x15A00] =	vst v63  }
0x72: {  	_ =	swait.ge [sflag:s22], $0x1A0  }
0x73: {  	[sflag:s22] =	ssyncset.done $0x0  }
0x74: {  	[sflag:s22] =	ssyncadd.s32 $0xFFFFFE60  }
0x75: {  	[spmem:s1] =	stream.indirect.scatter.add.f32 [tilespmem:s2], [sflag:$0x1], $0x80, s23, s24, $0xb8;
	[tilespmem:$0x15A00] =	vst v63  }
0x76: {  	_ =	swait.ge [sflag:s22], $0xD000  }
0x77: {  	[sflag:s22] =	ssyncset.done $0x0  }
0x78: {  	s25 =	sshrl.u32 @!p0 s1, $0x3;
	s20 =	sadd.s32 $0xFFFFFFFF, s20;
	[sflag:s22] =	ssyncadd.s32 $0xFFFF3000  }
0x79: {  	s26 =	simm.s32 @!p0 $0x1C01;
	p1 =	sne.s32 s20, $0x0;
	[bflag:$0x0] =	sbarrier.arrive $0xFFFF  }
0x7a: {  	[hbm:s19], [sflag:s26] =	dma.local @!p0 [spmem:s25], $0x1000  }
.Ltmp1:
0x7b: {  	_ = 	snop;
	(pc) =	sbr.rel @!p1 .LBB2_4-.Ltmp1, $4  }
0x7c: {  	s25 =	simm.s32 @!p0 $0x1  }
0x7d: {  	_ =	swait.ge @!p0 [sflag:s25], $0x1000  }
0x7e: {  	[sflag:s25] =	ssyncset.done @!p0 $0x0  }
0x7f: {  	[sflag:s25] =	ssyncadd.s32 @!p0 $0xFFFFF000  }
.LBB2_1:
.Ltmp2:
0x80: {  	(pc) =	sbr.rel @p0 .LBB2_3-.Ltmp2, $1  }
0x81: {  	_ =	sdelay $0x3  }
0x82: {  	[tilespmem:$0xD200] =	vst v0  }
0x83: {  	[tilespmem:$0xD210] =	vst v0  }
0x84: {  	[tilespmem:$0xD220] =	vst v0  }
0x85: {  	[tilespmem:$0xD230] =	vst v0  }
0x86: {  	[tilespmem:$0xD240] =	vst v0  }
0x87: {  	[tilespmem:$0xD250] =	vst v0  }
0x88: {  	[tilespmem:$0xD260] =	vst v0  }
0x89: {  	[tilespmem:$0xD270] =	vst v0  }
0x8a: {  	[tilespmem:$0xD280] =	vst v0  }
0x8b: {  	[tilespmem:$0xD290] =	vst v0  }
0x8c: {  	[tilespmem:$0xD2A0] =	vst v0  }
0x8d: {  	[tilespmem:$0xD2B0] =	vst v0  }
0x8e: {  	[tilespmem:$0xD2C0] =	vst v0  }
0x8f: {  	[tilespmem:$0xD2D0] =	vst v0  }
0x90: {  	[tilespmem:$0xD2E0] =	vst v0  }
0x91: {  	[tilespmem:$0xD2F0] =	vst v0  }
0x92: {  	[tilespmem:$0xD300] =	vst v0  }
0x93: {  	[tilespmem:$0xD310] =	vst v0  }
0x94: {  	[tilespmem:$0xD320] =	vst v0  }
0x95: {  	[tilespmem:$0xD330] =	vst v0  }
0x96: {  	[tilespmem:$0xD340] =	vst v0  }
0x97: {  	[tilespmem:$0xD350] =	vst v0  }
0x98: {  	[tilespmem:$0xD360] =	vst v0  }
0x99: {  	[tilespmem:$0xD370] =	vst v0  }
0x9a: {  	[tilespmem:$0xD380] =	vst v0  }
0x9b: {  	[tilespmem:$0xD390] =	vst v0  }
0x9c: {  	[tilespmem:$0xD3A0] =	vst v0  }
0x9d: {  	[tilespmem:$0xD3B0] =	vst v0  }
0x9e: {  	[tilespmem:$0xD3C0] =	vst v0  }
0x9f: {  	[tilespmem:$0xD3D0] =	vst v0  }
0xa0: {  	[tilespmem:$0xD3E0] =	vst v0  }
0xa1: {  	[tilespmem:$0xD3F0] =	vst v0  }
0xa2: {  	[tilespmem:$0xD400] =	vst v0  }
0xa3: {  	[tilespmem:$0xD410] =	vst v0  }
0xa4: {  	[tilespmem:$0xD420] =	vst v0  }
0xa5: {  	[tilespmem:$0xD430] =	vst v0  }
0xa6: {  	[tilespmem:$0xD440] =	vst v0  }
0xa7: {  	[tilespmem:$0xD450] =	vst v0  }
0xa8: {  	[tilespmem:$0xD460] =	vst v0  }
0xa9: {  	[tilespmem:$0xD470] =	vst v0  }
0xaa: {  	[tilespmem:$0xD480] =	vst v0  }
0xab: {  	[tilespmem:$0xD490] =	vst v0  }
0xac: {  	[tilespmem:$0xD4A0] =	vst v0  }
0xad: {  	[tilespmem:$0xD4B0] =	vst v0  }
0xae: {  	[tilespmem:$0xD4C0] =	vst v0  }
0xaf: {  	[tilespmem:$0xD4D0] =	vst v0  }
0xb0: {  	[tilespmem:$0xD4E0] =	vst v0  }
0xb1: {  	[tilespmem:$0xD4F0] =	vst v0  }
0xb2: {  	[tilespmem:$0xD500] =	vst v0  }
0xb3: {  	[tilespmem:$0xD510] =	vst v0  }
0xb4: {  	[tilespmem:$0xD520] =	vst v0  }
0xb5: {  	[tilespmem:$0xD530] =	vst v0  }
0xb6: {  	[tilespmem:$0xD540] =	vst v0  }
0xb7: {  	[tilespmem:$0xD550] =	vst v0  }
0xb8: {  	[tilespmem:$0xD560] =	vst v0  }
0xb9: {  	[tilespmem:$0xD570] =	vst v0  }
0xba: {  	[tilespmem:$0xD580] =	vst v0  }
0xbb: {  	[tilespmem:$0xD590] =	vst v0  }
0xbc: {  	[tilespmem:$0xD5A0] =	vst v0  }
0xbd: {  	[tilespmem:$0xD5B0] =	vst v0  }
0xbe: {  	[tilespmem:$0xD5C0] =	vst v0  }
0xbf: {  	[tilespmem:$0xD5D0] =	vst v0  }
0xc0: {  	[tilespmem:$0xD5E0] =	vst v0  }
0xc1: {  	[tilespmem:$0xD5F0] =	vst v0  }
0xc2: {  	[tilespmem:$0xD600] =	vst v0  }
0xc3: {  	[tilespmem:$0xD610] =	vst v0  }
0xc4: {  	[tilespmem:$0xD620] =	vst v0  }
0xc5: {  	[tilespmem:$0xD630] =	vst v0  }
0xc6: {  	[tilespmem:$0xD640] =	vst v0  }
0xc7: {  	[tilespmem:$0xD650] =	vst v0  }
0xc8: {  	[tilespmem:$0xD660] =	vst v0  }
0xc9: {  	[tilespmem:$0xD670] =	vst v0  }
0xca: {  	[tilespmem:$0xD680] =	vst v0  }
0xcb: {  	[tilespmem:$0xD690] =	vst v0  }
0xcc: {  	[tilespmem:$0xD6A0] =	vst v0  }
0xcd: {  	[tilespmem:$0xD6B0] =	vst v0  }
0xce: {  	[tilespmem:$0xD6C0] =	vst v0  }
0xcf: {  	[tilespmem:$0xD6D0] =	vst v0  }
0xd0: {  	[tilespmem:$0xD6E0] =	vst v0  }
0xd1: {  	[tilespmem:$0xD6F0] =	vst v0  }
0xd2: {  	[tilespmem:$0xD700] =	vst v0  }
0xd3: {  	[tilespmem:$0xD710] =	vst v0  }
0xd4: {  	[tilespmem:$0xD720] =	vst v0  }
0xd5: {  	[tilespmem:$0xD730] =	vst v0  }
0xd6: {  	[tilespmem:$0xD740] =	vst v0  }
0xd7: {  	[tilespmem:$0xD750] =	vst v0  }
0xd8: {  	[tilespmem:$0xD760] =	vst v0  }
0xd9: {  	[tilespmem:$0xD770] =	vst v0  }
0xda: {  	[tilespmem:$0xD780] =	vst v0  }
0xdb: {  	[tilespmem:$0xD790] =	vst v0  }
0xdc: {  	[tilespmem:$0xD7A0] =	vst v0  }
0xdd: {  	[tilespmem:$0xD7B0] =	vst v0  }
0xde: {  	[tilespmem:$0xD7C0] =	vst v0  }
0xdf: {  	[tilespmem:$0xD7D0] =	vst v0  }
0xe0: {  	[tilespmem:$0xD7E0] =	vst v0  }
0xe1: {  	[tilespmem:$0xD7F0] =	vst v0  }
0xe2: {  	[tilespmem:$0xD800] =	vst v0  }
0xe3: {  	[tilespmem:$0xD810] =	vst v0  }
0xe4: {  	[tilespmem:$0xD820] =	vst v0  }
0xe5: {  	[tilespmem:$0xD830] =	vst v0  }
0xe6: {  	[tilespmem:$0xD840] =	vst v0  }
0xe7: {  	[tilespmem:$0xD850] =	vst v0  }
0xe8: {  	[tilespmem:$0xD860] =	vst v0  }
0xe9: {  	[tilespmem:$0xD870] =	vst v0  }
0xea: {  	[tilespmem:$0xD880] =	vst v0  }
0xeb: {  	[tilespmem:$0xD890] =	vst v0  }
0xec: {  	[tilespmem:$0xD8A0] =	vst v0  }
0xed: {  	[tilespmem:$0xD8B0] =	vst v0  }
0xee: {  	[tilespmem:$0xD8C0] =	vst v0  }
0xef: {  	[tilespmem:$0xD8D0] =	vst v0  }
0xf0: {  	[tilespmem:$0xD8E0] =	vst v0  }
0xf1: {  	[tilespmem:$0xD8F0] =	vst v0  }
0xf2: {  	[tilespmem:$0xD900] =	vst v0  }
0xf3: {  	[tilespmem:$0xD910] =	vst v0  }
0xf4: {  	[tilespmem:$0xD920] =	vst v0  }
0xf5: {  	[tilespmem:$0xD930] =	vst v0  }
0xf6: {  	[tilespmem:$0xD940] =	vst v0  }
0xf7: {  	[tilespmem:$0xD950] =	vst v0  }
0xf8: {  	[tilespmem:$0xD960] =	vst v0  }
0xf9: {  	[tilespmem:$0xD970] =	vst v0  }
0xfa: {  	[tilespmem:$0xD980] =	vst v0  }
0xfb: {  	[tilespmem:$0xD990] =	vst v0  }
0xfc: {  	[tilespmem:$0xD9A0] =	vst v0  }
0xfd: {  	[tilespmem:$0xD9B0] =	vst v0  }
0xfe: {  	[tilespmem:$0xD9C0] =	vst v0  }
0xff: {  	[tilespmem:$0xD9D0] =	vst v0  }
0x100: {  	[tilespmem:$0xD9E0] =	vst v0  }
0x101: {  	[tilespmem:$0xD9F0] =	vst v0  }
0x102: {  	[tilespmem:$0xDA00] =	vst v0  }
0x103: {  	[tilespmem:$0xDA10] =	vst v0  }
0x104: {  	[tilespmem:$0xDA20] =	vst v0  }
0x105: {  	[tilespmem:$0xDA30] =	vst v0  }
0x106: {  	[tilespmem:$0xDA40] =	vst v0  }
0x107: {  	[tilespmem:$0xDA50] =	vst v0  }
0x108: {  	[tilespmem:$0xDA60] =	vst v0  }
0x109: {  	[tilespmem:$0xDA70] =	vst v0  }
0x10a: {  	[tilespmem:$0xDA80] =	vst v0  }
0x10b: {  	[tilespmem:$0xDA90] =	vst v0  }
0x10c: {  	[tilespmem:$0xDAA0] =	vst v0  }
0x10d: {  	[tilespmem:$0xDAB0] =	vst v0  }
0x10e: {  	[tilespmem:$0xDAC0] =	vst v0  }
0x10f: {  	[tilespmem:$0xDAD0] =	vst v0  }
0x110: {  	[tilespmem:$0xDAE0] =	vst v0  }
0x111: {  	[tilespmem:$0xDAF0] =	vst v0  }
0x112: {  	[tilespmem:$0xDB00] =	vst v0  }
0x113: {  	[tilespmem:$0xDB10] =	vst v0  }
0x114: {  	[tilespmem:$0xDB20] =	vst v0  }
0x115: {  	[tilespmem:$0xDB30] =	vst v0  }
0x116: {  	[tilespmem:$0xDB40] =	vst v0  }
0x117: {  	[tilespmem:$0xDB50] =	vst v0  }
0x118: {  	[tilespmem:$0xDB60] =	vst v0  }
0x119: {  	[tilespmem:$0xDB70] =	vst v0  }
0x11a: {  	[tilespmem:$0xDB80] =	vst v0  }
0x11b: {  	[tilespmem:$0xDB90] =	vst v0  }
0x11c: {  	[tilespmem:$0xDBA0] =	vst v0  }
0x11d: {  	[tilespmem:$0xDBB0] =	vst v0  }
0x11e: {  	[tilespmem:$0xDBC0] =	vst v0  }
0x11f: {  	[tilespmem:$0xDBD0] =	vst v0  }
0x120: {  	[tilespmem:$0xDBE0] =	vst v0  }
0x121: {  	[tilespmem:$0xDBF0] =	vst v0  }
0x122: {  	[tilespmem:$0xDC00] =	vst v0  }
0x123: {  	[tilespmem:$0xDC10] =	vst v0  }
0x124: {  	[tilespmem:$0xDC20] =	vst v0  }
0x125: {  	[tilespmem:$0xDC30] =	vst v0  }
0x126: {  	[tilespmem:$0xDC40] =	vst v0  }
0x127: {  	[tilespmem:$0xDC50] =	vst v0  }
0x128: {  	[tilespmem:$0xDC60] =	vst v0  }
0x129: {  	[tilespmem:$0xDC70] =	vst v0  }
0x12a: {  	[tilespmem:$0xDC80] =	vst v0  }
0x12b: {  	[tilespmem:$0xDC90] =	vst v0  }
0x12c: {  	[tilespmem:$0xDCA0] =	vst v0  }
0x12d: {  	[tilespmem:$0xDCB0] =	vst v0  }
0x12e: {  	[tilespmem:$0xDCC0] =	vst v0  }
0x12f: {  	[tilespmem:$0xDCD0] =	vst v0  }
0x130: {  	[tilespmem:$0xDCE0] =	vst v0  }
0x131: {  	[tilespmem:$0xDCF0] =	vst v0  }
0x132: {  	[tilespmem:$0xDD00] =	vst v0  }
0x133: {  	[tilespmem:$0xDD10] =	vst v0  }
0x134: {  	[tilespmem:$0xDD20] =	vst v0  }
0x135: {  	[tilespmem:$0xDD30] =	vst v0  }
0x136: {  	[tilespmem:$0xDD40] =	vst v0  }
0x137: {  	[tilespmem:$0xDD50] =	vst v0  }
0x138: {  	[tilespmem:$0xDD60] =	vst v0  }
0x139: {  	[tilespmem:$0xDD70] =	vst v0  }
0x13a: {  	[tilespmem:$0xDD80] =	vst v0  }
0x13b: {  	[tilespmem:$0xDD90] =	vst v0  }
0x13c: {  	[tilespmem:$0xDDA0] =	vst v0  }
0x13d: {  	[tilespmem:$0xDDB0] =	vst v0  }
0x13e: {  	[tilespmem:$0xDDC0] =	vst v0  }
0x13f: {  	[tilespmem:$0xDDD0] =	vst v0  }
0x140: {  	[tilespmem:$0xDDE0] =	vst v0  }
0x141: {  	[tilespmem:$0xDDF0] =	vst v0  }
0x142: {  	[tilespmem:$0xDE00] =	vst v0  }
0x143: {  	[tilespmem:$0xDE10] =	vst v0  }
0x144: {  	[tilespmem:$0xDE20] =	vst v0  }
0x145: {  	[tilespmem:$0xDE30] =	vst v0  }
0x146: {  	[tilespmem:$0xDE40] =	vst v0  }
0x147: {  	[tilespmem:$0xDE50] =	vst v0  }
0x148: {  	[tilespmem:$0xDE60] =	vst v0  }
0x149: {  	[tilespmem:$0xDE70] =	vst v0  }
0x14a: {  	[tilespmem:$0xDE80] =	vst v0  }
0x14b: {  	[tilespmem:$0xDE90] =	vst v0  }
0x14c: {  	[tilespmem:$0xDEA0] =	vst v0  }
0x14d: {  	[tilespmem:$0xDEB0] =	vst v0  }
0x14e: {  	[tilespmem:$0xDEC0] =	vst v0  }
0x14f: {  	[tilespmem:$0xDED0] =	vst v0  }
0x150: {  	[tilespmem:$0xDEE0] =	vst v0  }
0x151: {  	[tilespmem:$0xDEF0] =	vst v0  }
0x152: {  	[tilespmem:$0xDF00] =	vst v0  }
0x153: {  	[tilespmem:$0xDF10] =	vst v0  }
0x154: {  	[tilespmem:$0xDF20] =	vst v0  }
0x155: {  	[tilespmem:$0xDF30] =	vst v0  }
0x156: {  	[tilespmem:$0xDF40] =	vst v0  }
0x157: {  	[tilespmem:$0xDF50] =	vst v0  }
0x158: {  	[tilespmem:$0xDF60] =	vst v0  }
0x159: {  	[tilespmem:$0xDF70] =	vst v0  }
0x15a: {  	[tilespmem:$0xDF80] =	vst v0  }
0x15b: {  	[tilespmem:$0xDF90] =	vst v0  }
0x15c: {  	[tilespmem:$0xDFA0] =	vst v0  }
0x15d: {  	[tilespmem:$0xDFB0] =	vst v0  }
0x15e: {  	[tilespmem:$0xDFC0] =	vst v0  }
0x15f: {  	[tilespmem:$0xDFD0] =	vst v0  }
0x160: {  	[tilespmem:$0xDFE0] =	vst v0  }
0x161: {  	[tilespmem:$0xDFF0] =	vst v0  }
0x162: {  	[tilespmem:$0xE000] =	vst v0  }
0x163: {  	[tilespmem:$0xE010] =	vst v0  }
0x164: {  	[tilespmem:$0xE020] =	vst v0  }
0x165: {  	[tilespmem:$0xE030] =	vst v0  }
0x166: {  	[tilespmem:$0xE040] =	vst v0  }
0x167: {  	[tilespmem:$0xE050] =	vst v0  }
0x168: {  	[tilespmem:$0xE060] =	vst v0  }
0x169: {  	[tilespmem:$0xE070] =	vst v0  }
0x16a: {  	[tilespmem:$0xE080] =	vst v0  }
0x16b: {  	[tilespmem:$0xE090] =	vst v0  }
0x16c: {  	[tilespmem:$0xE0A0] =	vst v0  }
0x16d: {  	[tilespmem:$0xE0B0] =	vst v0  }
0x16e: {  	[tilespmem:$0xE0C0] =	vst v0  }
0x16f: {  	[tilespmem:$0xE0D0] =	vst v0  }
0x170: {  	[tilespmem:$0xE0E0] =	vst v0  }
0x171: {  	[tilespmem:$0xE0F0] =	vst v0  }
0x172: {  	[tilespmem:$0xE100] =	vst v0  }
0x173: {  	[tilespmem:$0xE110] =	vst v0  }
0x174: {  	[tilespmem:$0xE120] =	vst v0  }
0x175: {  	[tilespmem:$0xE130] =	vst v0  }
0x176: {  	[tilespmem:$0xE140] =	vst v0  }
0x177: {  	[tilespmem:$0xE150] =	vst v0  }
0x178: {  	[tilespmem:$0xE160] =	vst v0  }
0x179: {  	[tilespmem:$0xE170] =	vst v0  }
0x17a: {  	[tilespmem:$0xE180] =	vst v0  }
0x17b: {  	[tilespmem:$0xE190] =	vst v0  }
0x17c: {  	[tilespmem:$0xE1A0] =	vst v0  }
0x17d: {  	[tilespmem:$0xE1B0] =	vst v0  }
0x17e: {  	[tilespmem:$0xE1C0] =	vst v0  }
0x17f: {  	[tilespmem:$0xE1D0] =	vst v0  }
0x180: {  	[tilespmem:$0xE1E0] =	vst v0  }
0x181: {  	[tilespmem:$0xE1F0] =	vst v0  }
0x182: {  	[tilespmem:$0xE200] =	vst v0  }
0x183: {  	[tilespmem:$0xE210] =	vst v0  }
0x184: {  	[tilespmem:$0xE220] =	vst v0  }
0x185: {  	[tilespmem:$0xE230] =	vst v0  }
0x186: {  	[tilespmem:$0xE240] =	vst v0  }
0x187: {  	[tilespmem:$0xE250] =	vst v0  }
0x188: {  	[tilespmem:$0xE260] =	vst v0  }
0x189: {  	[tilespmem:$0xE270] =	vst v0  }
0x18a: {  	[tilespmem:$0xE280] =	vst v0  }
0x18b: {  	[tilespmem:$0xE290] =	vst v0  }
0x18c: {  	[tilespmem:$0xE2A0] =	vst v0  }
0x18d: {  	[tilespmem:$0xE2B0] =	vst v0  }
0x18e: {  	[tilespmem:$0xE2C0] =	vst v0  }
0x18f: {  	[tilespmem:$0xE2D0] =	vst v0  }
0x190: {  	[tilespmem:$0xE2E0] =	vst v0  }
0x191: {  	[tilespmem:$0xE2F0] =	vst v0  }
0x192: {  	[tilespmem:$0xE300] =	vst v0  }
0x193: {  	[tilespmem:$0xE310] =	vst v0  }
0x194: {  	[tilespmem:$0xE320] =	vst v0  }
0x195: {  	[tilespmem:$0xE330] =	vst v0  }
0x196: {  	[tilespmem:$0xE340] =	vst v0  }
0x197: {  	[tilespmem:$0xE350] =	vst v0  }
0x198: {  	[tilespmem:$0xE360] =	vst v0  }
0x199: {  	[tilespmem:$0xE370] =	vst v0  }
0x19a: {  	[tilespmem:$0xE380] =	vst v0  }
0x19b: {  	[tilespmem:$0xE390] =	vst v0  }
0x19c: {  	[tilespmem:$0xE3A0] =	vst v0  }
0x19d: {  	[tilespmem:$0xE3B0] =	vst v0  }
0x19e: {  	[tilespmem:$0xE3C0] =	vst v0  }
0x19f: {  	[tilespmem:$0xE3D0] =	vst v0  }
0x1a0: {  	[tilespmem:$0xE3E0] =	vst v0  }
0x1a1: {  	[tilespmem:$0xE3F0] =	vst v0  }
0x1a2: {  	[tilespmem:$0xE400] =	vst v0  }
0x1a3: {  	[tilespmem:$0xE410] =	vst v0  }
0x1a4: {  	[tilespmem:$0xE420] =	vst v0  }
0x1a5: {  	[tilespmem:$0xE430] =	vst v0  }
0x1a6: {  	[tilespmem:$0xE440] =	vst v0  }
0x1a7: {  	[tilespmem:$0xE450] =	vst v0  }
0x1a8: {  	[tilespmem:$0xE460] =	vst v0  }
0x1a9: {  	[tilespmem:$0xE470] =	vst v0  }
0x1aa: {  	[tilespmem:$0xE480] =	vst v0  }
0x1ab: {  	[tilespmem:$0xE490] =	vst v0  }
0x1ac: {  	[tilespmem:$0xE4A0] =	vst v0  }
0x1ad: {  	[tilespmem:$0xE4B0] =	vst v0  }
0x1ae: {  	[tilespmem:$0xE4C0] =	vst v0  }
0x1af: {  	[tilespmem:$0xE4D0] =	vst v0  }
0x1b0: {  	[tilespmem:$0xE4E0] =	vst v0  }
0x1b1: {  	[tilespmem:$0xE4F0] =	vst v0  }
0x1b2: {  	[tilespmem:$0xE500] =	vst v0  }
0x1b3: {  	[tilespmem:$0xE510] =	vst v0  }
0x1b4: {  	[tilespmem:$0xE520] =	vst v0  }
0x1b5: {  	[tilespmem:$0xE530] =	vst v0  }
0x1b6: {  	[tilespmem:$0xE540] =	vst v0  }
0x1b7: {  	[tilespmem:$0xE550] =	vst v0  }
0x1b8: {  	[tilespmem:$0xE560] =	vst v0  }
0x1b9: {  	[tilespmem:$0xE570] =	vst v0  }
0x1ba: {  	[tilespmem:$0xE580] =	vst v0  }
0x1bb: {  	[tilespmem:$0xE590] =	vst v0  }
0x1bc: {  	[tilespmem:$0xE5A0] =	vst v0  }
0x1bd: {  	[tilespmem:$0xE5B0] =	vst v0  }
0x1be: {  	[tilespmem:$0xE5C0] =	vst v0  }
0x1bf: {  	[tilespmem:$0xE5D0] =	vst v0  }
0x1c0: {  	[tilespmem:$0xE5E0] =	vst v0  }
0x1c1: {  	[tilespmem:$0xE5F0] =	vst v0  }
0x1c2: {  	[tilespmem:$0xE600] =	vst v0  }
0x1c3: {  	[tilespmem:$0xE610] =	vst v0  }
0x1c4: {  	[tilespmem:$0xE620] =	vst v0  }
0x1c5: {  	[tilespmem:$0xE630] =	vst v0  }
0x1c6: {  	[tilespmem:$0xE640] =	vst v0  }
0x1c7: {  	[tilespmem:$0xE650] =	vst v0  }
0x1c8: {  	[tilespmem:$0xE660] =	vst v0  }
0x1c9: {  	[tilespmem:$0xE670] =	vst v0  }
0x1ca: {  	[tilespmem:$0xE680] =	vst v0  }
0x1cb: {  	[tilespmem:$0xE690] =	vst v0  }
0x1cc: {  	[tilespmem:$0xE6A0] =	vst v0  }
0x1cd: {  	[tilespmem:$0xE6B0] =	vst v0  }
0x1ce: {  	[tilespmem:$0xE6C0] =	vst v0  }
0x1cf: {  	[tilespmem:$0xE6D0] =	vst v0  }
0x1d0: {  	[tilespmem:$0xE6E0] =	vst v0  }
0x1d1: {  	[tilespmem:$0xE6F0] =	vst v0  }
0x1d2: {  	[tilespmem:$0xE700] =	vst v0  }
0x1d3: {  	[tilespmem:$0xE710] =	vst v0  }
0x1d4: {  	[tilespmem:$0xE720] =	vst v0  }
0x1d5: {  	[tilespmem:$0xE730] =	vst v0  }
0x1d6: {  	[tilespmem:$0xE740] =	vst v0  }
0x1d7: {  	[tilespmem:$0xE750] =	vst v0  }
0x1d8: {  	[tilespmem:$0xE760] =	vst v0  }
0x1d9: {  	[tilespmem:$0xE770] =	vst v0  }
0x1da: {  	[tilespmem:$0xE780] =	vst v0  }
0x1db: {  	[tilespmem:$0xE790] =	vst v0  }
0x1dc: {  	[tilespmem:$0xE7A0] =	vst v0  }
0x1dd: {  	[tilespmem:$0xE7B0] =	vst v0  }
0x1de: {  	[tilespmem:$0xE7C0] =	vst v0  }
0x1df: {  	[tilespmem:$0xE7D0] =	vst v0  }
0x1e0: {  	[tilespmem:$0xE7E0] =	vst v0  }
0x1e1: {  	[tilespmem:$0xE7F0] =	vst v0  }
0x1e2: {  	[tilespmem:$0xE800] =	vst v0  }
0x1e3: {  	[tilespmem:$0xE810] =	vst v0  }
0x1e4: {  	[tilespmem:$0xE820] =	vst v0  }
0x1e5: {  	[tilespmem:$0xE830] =	vst v0  }
0x1e6: {  	[tilespmem:$0xE840] =	vst v0  }
0x1e7: {  	[tilespmem:$0xE850] =	vst v0  }
0x1e8: {  	[tilespmem:$0xE860] =	vst v0  }
0x1e9: {  	[tilespmem:$0xE870] =	vst v0  }
0x1ea: {  	[tilespmem:$0xE880] =	vst v0  }
0x1eb: {  	[tilespmem:$0xE890] =	vst v0  }
0x1ec: {  	[tilespmem:$0xE8A0] =	vst v0  }
0x1ed: {  	[tilespmem:$0xE8B0] =	vst v0  }
0x1ee: {  	[tilespmem:$0xE8C0] =	vst v0  }
0x1ef: {  	[tilespmem:$0xE8D0] =	vst v0  }
0x1f0: {  	[tilespmem:$0xE8E0] =	vst v0  }
0x1f1: {  	[tilespmem:$0xE8F0] =	vst v0  }
0x1f2: {  	[tilespmem:$0xE900] =	vst v0  }
0x1f3: {  	[tilespmem:$0xE910] =	vst v0  }
0x1f4: {  	[tilespmem:$0xE920] =	vst v0  }
0x1f5: {  	[tilespmem:$0xE930] =	vst v0  }
0x1f6: {  	[tilespmem:$0xE940] =	vst v0  }
0x1f7: {  	[tilespmem:$0xE950] =	vst v0  }
0x1f8: {  	[tilespmem:$0xE960] =	vst v0  }
0x1f9: {  	[tilespmem:$0xE970] =	vst v0  }
0x1fa: {  	[tilespmem:$0xE980] =	vst v0  }
0x1fb: {  	[tilespmem:$0xE990] =	vst v0  }
0x1fc: {  	[tilespmem:$0xE9A0] =	vst v0  }
0x1fd: {  	[tilespmem:$0xE9B0] =	vst v0  }
0x1fe: {  	[tilespmem:$0xE9C0] =	vst v0  }
0x1ff: {  	[tilespmem:$0xE9D0] =	vst v0  }
0x200: {  	[tilespmem:$0xE9E0] =	vst v0  }
0x201: {  	[tilespmem:$0xE9F0] =	vst v0  }
0x202: {  	[tilespmem:$0xEA00] =	vst v0  }
0x203: {  	[tilespmem:$0xEA10] =	vst v0  }
0x204: {  	[tilespmem:$0xEA20] =	vst v0  }
0x205: {  	[tilespmem:$0xEA30] =	vst v0  }
0x206: {  	[tilespmem:$0xEA40] =	vst v0  }
0x207: {  	[tilespmem:$0xEA50] =	vst v0  }
0x208: {  	[tilespmem:$0xEA60] =	vst v0  }
0x209: {  	[tilespmem:$0xEA70] =	vst v0  }
0x20a: {  	[tilespmem:$0xEA80] =	vst v0  }
0x20b: {  	[tilespmem:$0xEA90] =	vst v0  }
0x20c: {  	[tilespmem:$0xEAA0] =	vst v0  }
0x20d: {  	[tilespmem:$0xEAB0] =	vst v0  }
0x20e: {  	[tilespmem:$0xEAC0] =	vst v0  }
0x20f: {  	[tilespmem:$0xEAD0] =	vst v0  }
0x210: {  	[tilespmem:$0xEAE0] =	vst v0  }
0x211: {  	[tilespmem:$0xEAF0] =	vst v0  }
0x212: {  	[tilespmem:$0xEB00] =	vst v0  }
0x213: {  	[tilespmem:$0xEB10] =	vst v0  }
0x214: {  	[tilespmem:$0xEB20] =	vst v0  }
0x215: {  	[tilespmem:$0xEB30] =	vst v0  }
0x216: {  	[tilespmem:$0xEB40] =	vst v0  }
0x217: {  	[tilespmem:$0xEB50] =	vst v0  }
0x218: {  	[tilespmem:$0xEB60] =	vst v0  }
0x219: {  	[tilespmem:$0xEB70] =	vst v0  }
0x21a: {  	[tilespmem:$0xEB80] =	vst v0  }
0x21b: {  	[tilespmem:$0xEB90] =	vst v0  }
0x21c: {  	[tilespmem:$0xEBA0] =	vst v0  }
0x21d: {  	[tilespmem:$0xEBB0] =	vst v0  }
0x21e: {  	[tilespmem:$0xEBC0] =	vst v0  }
0x21f: {  	[tilespmem:$0xEBD0] =	vst v0  }
0x220: {  	[tilespmem:$0xEBE0] =	vst v0  }
0x221: {  	[tilespmem:$0xEBF0] =	vst v0  }
0x222: {  	[tilespmem:$0xEC00] =	vst v0  }
0x223: {  	[tilespmem:$0xEC10] =	vst v0  }
0x224: {  	[tilespmem:$0xEC20] =	vst v0  }
0x225: {  	[tilespmem:$0xEC30] =	vst v0  }
0x226: {  	[tilespmem:$0xEC40] =	vst v0  }
0x227: {  	[tilespmem:$0xEC50] =	vst v0  }
0x228: {  	[tilespmem:$0xEC60] =	vst v0  }
0x229: {  	[tilespmem:$0xEC70] =	vst v0  }
0x22a: {  	[tilespmem:$0xEC80] =	vst v0  }
0x22b: {  	[tilespmem:$0xEC90] =	vst v0  }
0x22c: {  	[tilespmem:$0xECA0] =	vst v0  }
0x22d: {  	[tilespmem:$0xECB0] =	vst v0  }
0x22e: {  	[tilespmem:$0xECC0] =	vst v0  }
0x22f: {  	[tilespmem:$0xECD0] =	vst v0  }
0x230: {  	[tilespmem:$0xECE0] =	vst v0  }
0x231: {  	[tilespmem:$0xECF0] =	vst v0  }
0x232: {  	[tilespmem:$0xED00] =	vst v0  }
0x233: {  	[tilespmem:$0xED10] =	vst v0  }
0x234: {  	[tilespmem:$0xED20] =	vst v0  }
0x235: {  	[tilespmem:$0xED30] =	vst v0  }
0x236: {  	[tilespmem:$0xED40] =	vst v0  }
0x237: {  	[tilespmem:$0xED50] =	vst v0  }
0x238: {  	[tilespmem:$0xED60] =	vst v0  }
0x239: {  	[tilespmem:$0xED70] =	vst v0  }
0x23a: {  	[tilespmem:$0xED80] =	vst v0  }
0x23b: {  	[tilespmem:$0xED90] =	vst v0  }
0x23c: {  	[tilespmem:$0xEDA0] =	vst v0  }
0x23d: {  	[tilespmem:$0xEDB0] =	vst v0  }
0x23e: {  	[tilespmem:$0xEDC0] =	vst v0  }
0x23f: {  	[tilespmem:$0xEDD0] =	vst v0  }
0x240: {  	[tilespmem:$0xEDE0] =	vst v0  }
0x241: {  	[tilespmem:$0xEDF0] =	vst v0  }
0x242: {  	[tilespmem:$0xEE00] =	vst v0  }
0x243: {  	[tilespmem:$0xEE10] =	vst v0  }
0x244: {  	[tilespmem:$0xEE20] =	vst v0  }
0x245: {  	[tilespmem:$0xEE30] =	vst v0  }
0x246: {  	[tilespmem:$0xEE40] =	vst v0  }
0x247: {  	[tilespmem:$0xEE50] =	vst v0  }
0x248: {  	[tilespmem:$0xEE60] =	vst v0  }
0x249: {  	[tilespmem:$0xEE70] =	vst v0  }
0x24a: {  	[tilespmem:$0xEE80] =	vst v0  }
0x24b: {  	[tilespmem:$0xEE90] =	vst v0  }
0x24c: {  	[tilespmem:$0xEEA0] =	vst v0  }
0x24d: {  	[tilespmem:$0xEEB0] =	vst v0  }
0x24e: {  	[tilespmem:$0xEEC0] =	vst v0  }
0x24f: {  	[tilespmem:$0xEED0] =	vst v0  }
0x250: {  	[tilespmem:$0xEEE0] =	vst v0  }
0x251: {  	[tilespmem:$0xEEF0] =	vst v0  }
0x252: {  	[tilespmem:$0xEF00] =	vst v0  }
0x253: {  	[tilespmem:$0xEF10] =	vst v0  }
0x254: {  	[tilespmem:$0xEF20] =	vst v0  }
0x255: {  	[tilespmem:$0xEF30] =	vst v0  }
0x256: {  	[tilespmem:$0xEF40] =	vst v0  }
0x257: {  	[tilespmem:$0xEF50] =	vst v0  }
0x258: {  	[tilespmem:$0xEF60] =	vst v0  }
0x259: {  	[tilespmem:$0xEF70] =	vst v0  }
0x25a: {  	[tilespmem:$0xEF80] =	vst v0  }
0x25b: {  	[tilespmem:$0xEF90] =	vst v0  }
0x25c: {  	[tilespmem:$0xEFA0] =	vst v0  }
0x25d: {  	[tilespmem:$0xEFB0] =	vst v0  }
0x25e: {  	[tilespmem:$0xEFC0] =	vst v0  }
0x25f: {  	[tilespmem:$0xEFD0] =	vst v0  }
0x260: {  	[tilespmem:$0xEFE0] =	vst v0  }
0x261: {  	[tilespmem:$0xEFF0] =	vst v0  }
0x262: {  	[tilespmem:$0xF000] =	vst v0  }
0x263: {  	[tilespmem:$0xF010] =	vst v0  }
0x264: {  	[tilespmem:$0xF020] =	vst v0  }
0x265: {  	[tilespmem:$0xF030] =	vst v0  }
0x266: {  	[tilespmem:$0xF040] =	vst v0  }
0x267: {  	[tilespmem:$0xF050] =	vst v0  }
0x268: {  	[tilespmem:$0xF060] =	vst v0  }
0x269: {  	[tilespmem:$0xF070] =	vst v0  }
0x26a: {  	[tilespmem:$0xF080] =	vst v0  }
0x26b: {  	[tilespmem:$0xF090] =	vst v0  }
0x26c: {  	[tilespmem:$0xF0A0] =	vst v0  }
0x26d: {  	[tilespmem:$0xF0B0] =	vst v0  }
0x26e: {  	[tilespmem:$0xF0C0] =	vst v0  }
0x26f: {  	[tilespmem:$0xF0D0] =	vst v0  }
0x270: {  	[tilespmem:$0xF0E0] =	vst v0  }
0x271: {  	[tilespmem:$0xF0F0] =	vst v0  }
0x272: {  	[tilespmem:$0xF100] =	vst v0  }
0x273: {  	[tilespmem:$0xF110] =	vst v0  }
0x274: {  	[tilespmem:$0xF120] =	vst v0  }
0x275: {  	[tilespmem:$0xF130] =	vst v0  }
0x276: {  	[tilespmem:$0xF140] =	vst v0  }
0x277: {  	[tilespmem:$0xF150] =	vst v0  }
0x278: {  	[tilespmem:$0xF160] =	vst v0  }
0x279: {  	[tilespmem:$0xF170] =	vst v0  }
0x27a: {  	[tilespmem:$0xF180] =	vst v0  }
0x27b: {  	[tilespmem:$0xF190] =	vst v0  }
0x27c: {  	[tilespmem:$0xF1A0] =	vst v0  }
0x27d: {  	[tilespmem:$0xF1B0] =	vst v0  }
0x27e: {  	[tilespmem:$0xF1C0] =	vst v0  }
0x27f: {  	[tilespmem:$0xF1D0] =	vst v0  }
0x280: {  	[tilespmem:$0xF1E0] =	vst v0  }
0x281: {  	[tilespmem:$0xF1F0] =	vst v0  }
0x282: {  	[tilespmem:$0xF200] =	vst v0  }
0x283: {  	[tilespmem:$0xF210] =	vst v0  }
0x284: {  	[tilespmem:$0xF220] =	vst v0  }
0x285: {  	[tilespmem:$0xF230] =	vst v0  }
0x286: {  	[tilespmem:$0xF240] =	vst v0  }
0x287: {  	[tilespmem:$0xF250] =	vst v0  }
0x288: {  	[tilespmem:$0xF260] =	vst v0  }
0x289: {  	[tilespmem:$0xF270] =	vst v0  }
0x28a: {  	[tilespmem:$0xF280] =	vst v0  }
0x28b: {  	[tilespmem:$0xF290] =	vst v0  }
0x28c: {  	[tilespmem:$0xF2A0] =	vst v0  }
0x28d: {  	[tilespmem:$0xF2B0] =	vst v0  }
0x28e: {  	[tilespmem:$0xF2C0] =	vst v0  }
0x28f: {  	[tilespmem:$0xF2D0] =	vst v0  }
0x290: {  	[tilespmem:$0xF2E0] =	vst v0  }
0x291: {  	[tilespmem:$0xF2F0] =	vst v0  }
0x292: {  	[tilespmem:$0xF300] =	vst v0  }
0x293: {  	[tilespmem:$0xF310] =	vst v0  }
0x294: {  	[tilespmem:$0xF320] =	vst v0  }
0x295: {  	[tilespmem:$0xF330] =	vst v0  }
0x296: {  	[tilespmem:$0xF340] =	vst v0  }
0x297: {  	[tilespmem:$0xF350] =	vst v0  }
0x298: {  	[tilespmem:$0xF360] =	vst v0  }
0x299: {  	[tilespmem:$0xF370] =	vst v0  }
0x29a: {  	[tilespmem:$0xF380] =	vst v0  }
0x29b: {  	[tilespmem:$0xF390] =	vst v0  }
0x29c: {  	[tilespmem:$0xF3A0] =	vst v0  }
0x29d: {  	[tilespmem:$0xF3B0] =	vst v0  }
0x29e: {  	[tilespmem:$0xF3C0] =	vst v0  }
0x29f: {  	[tilespmem:$0xF3D0] =	vst v0  }
0x2a0: {  	[tilespmem:$0xF3E0] =	vst v0  }
0x2a1: {  	[tilespmem:$0xF3F0] =	vst v0  }
0x2a2: {  	[tilespmem:$0xF400] =	vst v0  }
0x2a3: {  	[tilespmem:$0xF410] =	vst v0  }
0x2a4: {  	[tilespmem:$0xF420] =	vst v0  }
0x2a5: {  	[tilespmem:$0xF430] =	vst v0  }
0x2a6: {  	[tilespmem:$0xF440] =	vst v0  }
0x2a7: {  	[tilespmem:$0xF450] =	vst v0  }
0x2a8: {  	[tilespmem:$0xF460] =	vst v0  }
0x2a9: {  	[tilespmem:$0xF470] =	vst v0  }
0x2aa: {  	[tilespmem:$0xF480] =	vst v0  }
0x2ab: {  	[tilespmem:$0xF490] =	vst v0  }
0x2ac: {  	[tilespmem:$0xF4A0] =	vst v0  }
0x2ad: {  	[tilespmem:$0xF4B0] =	vst v0  }
0x2ae: {  	[tilespmem:$0xF4C0] =	vst v0  }
0x2af: {  	[tilespmem:$0xF4D0] =	vst v0  }
0x2b0: {  	[tilespmem:$0xF4E0] =	vst v0  }
0x2b1: {  	[tilespmem:$0xF4F0] =	vst v0  }
0x2b2: {  	[tilespmem:$0xF500] =	vst v0  }
0x2b3: {  	[tilespmem:$0xF510] =	vst v0  }
0x2b4: {  	[tilespmem:$0xF520] =	vst v0  }
0x2b5: {  	[tilespmem:$0xF530] =	vst v0  }
0x2b6: {  	[tilespmem:$0xF540] =	vst v0  }
0x2b7: {  	[tilespmem:$0xF550] =	vst v0  }
0x2b8: {  	[tilespmem:$0xF560] =	vst v0  }
0x2b9: {  	[tilespmem:$0xF570] =	vst v0  }
0x2ba: {  	[tilespmem:$0xF580] =	vst v0  }
0x2bb: {  	[tilespmem:$0xF590] =	vst v0  }
0x2bc: {  	[tilespmem:$0xF5A0] =	vst v0  }
0x2bd: {  	[tilespmem:$0xF5B0] =	vst v0  }
0x2be: {  	[tilespmem:$0xF5C0] =	vst v0  }
0x2bf: {  	[tilespmem:$0xF5D0] =	vst v0  }
0x2c0: {  	[tilespmem:$0xF5E0] =	vst v0  }
0x2c1: {  	[tilespmem:$0xF5F0] =	vst v0  }
0x2c2: {  	[tilespmem:$0xF600] =	vst v0  }
0x2c3: {  	[tilespmem:$0xF610] =	vst v0  }
0x2c4: {  	[tilespmem:$0xF620] =	vst v0  }
0x2c5: {  	[tilespmem:$0xF630] =	vst v0  }
0x2c6: {  	[tilespmem:$0xF640] =	vst v0  }
0x2c7: {  	[tilespmem:$0xF650] =	vst v0  }
0x2c8: {  	[tilespmem:$0xF660] =	vst v0  }
0x2c9: {  	[tilespmem:$0xF670] =	vst v0  }
0x2ca: {  	[tilespmem:$0xF680] =	vst v0  }
0x2cb: {  	[tilespmem:$0xF690] =	vst v0  }
0x2cc: {  	[tilespmem:$0xF6A0] =	vst v0  }
0x2cd: {  	[tilespmem:$0xF6B0] =	vst v0  }
0x2ce: {  	[tilespmem:$0xF6C0] =	vst v0  }
0x2cf: {  	[tilespmem:$0xF6D0] =	vst v0  }
0x2d0: {  	[tilespmem:$0xF6E0] =	vst v0  }
0x2d1: {  	[tilespmem:$0xF6F0] =	vst v0  }
0x2d2: {  	[tilespmem:$0xF700] =	vst v0  }
0x2d3: {  	[tilespmem:$0xF710] =	vst v0  }
0x2d4: {  	[tilespmem:$0xF720] =	vst v0  }
0x2d5: {  	[tilespmem:$0xF730] =	vst v0  }
0x2d6: {  	[tilespmem:$0xF740] =	vst v0  }
0x2d7: {  	[tilespmem:$0xF750] =	vst v0  }
0x2d8: {  	[tilespmem:$0xF760] =	vst v0  }
0x2d9: {  	[tilespmem:$0xF770] =	vst v0  }
0x2da: {  	[tilespmem:$0xF780] =	vst v0  }
0x2db: {  	[tilespmem:$0xF790] =	vst v0  }
0x2dc: {  	[tilespmem:$0xF7A0] =	vst v0  }
0x2dd: {  	[tilespmem:$0xF7B0] =	vst v0  }
0x2de: {  	[tilespmem:$0xF7C0] =	vst v0  }
0x2df: {  	[tilespmem:$0xF7D0] =	vst v0  }
0x2e0: {  	[tilespmem:$0xF7E0] =	vst v0  }
0x2e1: {  	[tilespmem:$0xF7F0] =	vst v0  }
0x2e2: {  	[tilespmem:$0xF800] =	vst v0  }
0x2e3: {  	[tilespmem:$0xF810] =	vst v0  }
0x2e4: {  	[tilespmem:$0xF820] =	vst v0  }
0x2e5: {  	[tilespmem:$0xF830] =	vst v0  }
0x2e6: {  	[tilespmem:$0xF840] =	vst v0  }
0x2e7: {  	[tilespmem:$0xF850] =	vst v0  }
0x2e8: {  	[tilespmem:$0xF860] =	vst v0  }
0x2e9: {  	[tilespmem:$0xF870] =	vst v0  }
0x2ea: {  	[tilespmem:$0xF880] =	vst v0  }
0x2eb: {  	[tilespmem:$0xF890] =	vst v0  }
0x2ec: {  	[tilespmem:$0xF8A0] =	vst v0  }
0x2ed: {  	[tilespmem:$0xF8B0] =	vst v0  }
0x2ee: {  	[tilespmem:$0xF8C0] =	vst v0  }
0x2ef: {  	[tilespmem:$0xF8D0] =	vst v0  }
0x2f0: {  	[tilespmem:$0xF8E0] =	vst v0  }
0x2f1: {  	[tilespmem:$0xF8F0] =	vst v0  }
0x2f2: {  	[tilespmem:$0xF900] =	vst v0  }
0x2f3: {  	[tilespmem:$0xF910] =	vst v0  }
0x2f4: {  	[tilespmem:$0xF920] =	vst v0  }
0x2f5: {  	[tilespmem:$0xF930] =	vst v0  }
0x2f6: {  	[tilespmem:$0xF940] =	vst v0  }
0x2f7: {  	[tilespmem:$0xF950] =	vst v0  }
0x2f8: {  	[tilespmem:$0xF960] =	vst v0  }
0x2f9: {  	[tilespmem:$0xF970] =	vst v0  }
0x2fa: {  	[tilespmem:$0xF980] =	vst v0  }
0x2fb: {  	[tilespmem:$0xF990] =	vst v0  }
0x2fc: {  	[tilespmem:$0xF9A0] =	vst v0  }
0x2fd: {  	[tilespmem:$0xF9B0] =	vst v0  }
0x2fe: {  	[tilespmem:$0xF9C0] =	vst v0  }
0x2ff: {  	[tilespmem:$0xF9D0] =	vst v0  }
0x300: {  	[tilespmem:$0xF9E0] =	vst v0  }
0x301: {  	[tilespmem:$0xF9F0] =	vst v0  }
0x302: {  	[tilespmem:$0xFA00] =	vst v0  }
0x303: {  	[tilespmem:$0xFA10] =	vst v0  }
0x304: {  	[tilespmem:$0xFA20] =	vst v0  }
0x305: {  	[tilespmem:$0xFA30] =	vst v0  }
0x306: {  	[tilespmem:$0xFA40] =	vst v0  }
0x307: {  	[tilespmem:$0xFA50] =	vst v0  }
0x308: {  	[tilespmem:$0xFA60] =	vst v0  }
0x309: {  	[tilespmem:$0xFA70] =	vst v0  }
0x30a: {  	[tilespmem:$0xFA80] =	vst v0  }
0x30b: {  	[tilespmem:$0xFA90] =	vst v0  }
0x30c: {  	[tilespmem:$0xFAA0] =	vst v0  }
0x30d: {  	[tilespmem:$0xFAB0] =	vst v0  }
0x30e: {  	[tilespmem:$0xFAC0] =	vst v0  }
0x30f: {  	[tilespmem:$0xFAD0] =	vst v0  }
0x310: {  	[tilespmem:$0xFAE0] =	vst v0  }
0x311: {  	[tilespmem:$0xFAF0] =	vst v0  }
0x312: {  	[tilespmem:$0xFB00] =	vst v0  }
0x313: {  	[tilespmem:$0xFB10] =	vst v0  }
0x314: {  	[tilespmem:$0xFB20] =	vst v0  }
0x315: {  	[tilespmem:$0xFB30] =	vst v0  }
0x316: {  	[tilespmem:$0xFB40] =	vst v0  }
0x317: {  	[tilespmem:$0xFB50] =	vst v0  }
0x318: {  	[tilespmem:$0xFB60] =	vst v0  }
0x319: {  	[tilespmem:$0xFB70] =	vst v0  }
0x31a: {  	[tilespmem:$0xFB80] =	vst v0  }
0x31b: {  	[tilespmem:$0xFB90] =	vst v0  }
0x31c: {  	[tilespmem:$0xFBA0] =	vst v0  }
0x31d: {  	[tilespmem:$0xFBB0] =	vst v0  }
0x31e: {  	[tilespmem:$0xFBC0] =	vst v0  }
0x31f: {  	[tilespmem:$0xFBD0] =	vst v0  }
0x320: {  	[tilespmem:$0xFBE0] =	vst v0  }
0x321: {  	[tilespmem:$0xFBF0] =	vst v0  }
0x322: {  	[tilespmem:$0xFC00] =	vst v0  }
0x323: {  	[tilespmem:$0xFC10] =	vst v0  }
0x324: {  	[tilespmem:$0xFC20] =	vst v0  }
0x325: {  	[tilespmem:$0xFC30] =	vst v0  }
0x326: {  	[tilespmem:$0xFC40] =	vst v0  }
0x327: {  	[tilespmem:$0xFC50] =	vst v0  }
0x328: {  	[tilespmem:$0xFC60] =	vst v0  }
0x329: {  	[tilespmem:$0xFC70] =	vst v0  }
0x32a: {  	[tilespmem:$0xFC80] =	vst v0  }
0x32b: {  	[tilespmem:$0xFC90] =	vst v0  }
0x32c: {  	[tilespmem:$0xFCA0] =	vst v0  }
0x32d: {  	[tilespmem:$0xFCB0] =	vst v0  }
0x32e: {  	[tilespmem:$0xFCC0] =	vst v0  }
0x32f: {  	[tilespmem:$0xFCD0] =	vst v0  }
0x330: {  	[tilespmem:$0xFCE0] =	vst v0  }
0x331: {  	[tilespmem:$0xFCF0] =	vst v0  }
0x332: {  	[tilespmem:$0xFD00] =	vst v0  }
0x333: {  	[tilespmem:$0xFD10] =	vst v0  }
0x334: {  	[tilespmem:$0xFD20] =	vst v0  }
0x335: {  	[tilespmem:$0xFD30] =	vst v0  }
0x336: {  	[tilespmem:$0xFD40] =	vst v0  }
0x337: {  	[tilespmem:$0xFD50] =	vst v0  }
0x338: {  	[tilespmem:$0xFD60] =	vst v0  }
0x339: {  	[tilespmem:$0xFD70] =	vst v0  }
0x33a: {  	[tilespmem:$0xFD80] =	vst v0  }
0x33b: {  	[tilespmem:$0xFD90] =	vst v0  }
0x33c: {  	[tilespmem:$0xFDA0] =	vst v0  }
0x33d: {  	[tilespmem:$0xFDB0] =	vst v0  }
0x33e: {  	[tilespmem:$0xFDC0] =	vst v0  }
0x33f: {  	[tilespmem:$0xFDD0] =	vst v0  }
0x340: {  	[tilespmem:$0xFDE0] =	vst v0  }
0x341: {  	[tilespmem:$0xFDF0] =	vst v0  }
0x342: {  	[tilespmem:$0xFE00] =	vst v0  }
0x343: {  	[tilespmem:$0xFE10] =	vst v0  }
0x344: {  	[tilespmem:$0xFE20] =	vst v0  }
0x345: {  	[tilespmem:$0xFE30] =	vst v0  }
0x346: {  	[tilespmem:$0xFE40] =	vst v0  }
0x347: {  	[tilespmem:$0xFE50] =	vst v0  }
0x348: {  	[tilespmem:$0xFE60] =	vst v0  }
0x349: {  	[tilespmem:$0xFE70] =	vst v0  }
0x34a: {  	[tilespmem:$0xFE80] =	vst v0  }
0x34b: {  	[tilespmem:$0xFE90] =	vst v0  }
0x34c: {  	[tilespmem:$0xFEA0] =	vst v0  }
0x34d: {  	[tilespmem:$0xFEB0] =	vst v0  }
0x34e: {  	[tilespmem:$0xFEC0] =	vst v0  }
0x34f: {  	[tilespmem:$0xFED0] =	vst v0  }
0x350: {  	[tilespmem:$0xFEE0] =	vst v0  }
0x351: {  	[tilespmem:$0xFEF0] =	vst v0  }
0x352: {  	[tilespmem:$0xFF00] =	vst v0  }
0x353: {  	[tilespmem:$0xFF10] =	vst v0  }
0x354: {  	[tilespmem:$0xFF20] =	vst v0  }
0x355: {  	[tilespmem:$0xFF30] =	vst v0  }
0x356: {  	[tilespmem:$0xFF40] =	vst v0  }
0x357: {  	[tilespmem:$0xFF50] =	vst v0  }
0x358: {  	[tilespmem:$0xFF60] =	vst v0  }
0x359: {  	[tilespmem:$0xFF70] =	vst v0  }
0x35a: {  	[tilespmem:$0xFF80] =	vst v0  }
0x35b: {  	[tilespmem:$0xFF90] =	vst v0  }
0x35c: {  	[tilespmem:$0xFFA0] =	vst v0  }
0x35d: {  	[tilespmem:$0xFFB0] =	vst v0  }
0x35e: {  	[tilespmem:$0xFFC0] =	vst v0  }
0x35f: {  	[tilespmem:$0xFFD0] =	vst v0  }
0x360: {  	[tilespmem:$0xFFE0] =	vst v0  }
0x361: {  	[tilespmem:$0xFFF0] =	vst v0  }
0x362: {  	[tilespmem:$0x10000] =	vst v0  }
0x363: {  	[tilespmem:$0x10010] =	vst v0  }
0x364: {  	[tilespmem:$0x10020] =	vst v0  }
0x365: {  	[tilespmem:$0x10030] =	vst v0  }
0x366: {  	[tilespmem:$0x10040] =	vst v0  }
0x367: {  	[tilespmem:$0x10050] =	vst v0  }
0x368: {  	[tilespmem:$0x10060] =	vst v0  }
0x369: {  	[tilespmem:$0x10070] =	vst v0  }
0x36a: {  	[tilespmem:$0x10080] =	vst v0  }
0x36b: {  	[tilespmem:$0x10090] =	vst v0  }
0x36c: {  	[tilespmem:$0x100A0] =	vst v0  }
0x36d: {  	[tilespmem:$0x100B0] =	vst v0  }
0x36e: {  	[tilespmem:$0x100C0] =	vst v0  }
0x36f: {  	[tilespmem:$0x100D0] =	vst v0  }
0x370: {  	[tilespmem:$0x100E0] =	vst v0  }
0x371: {  	[tilespmem:$0x100F0] =	vst v0  }
0x372: {  	[tilespmem:$0x10100] =	vst v0  }
0x373: {  	[tilespmem:$0x10110] =	vst v0  }
0x374: {  	[tilespmem:$0x10120] =	vst v0  }
0x375: {  	[tilespmem:$0x10130] =	vst v0  }
0x376: {  	[tilespmem:$0x10140] =	vst v0  }
0x377: {  	[tilespmem:$0x10150] =	vst v0  }
0x378: {  	[tilespmem:$0x10160] =	vst v0  }
0x379: {  	[tilespmem:$0x10170] =	vst v0  }
0x37a: {  	[tilespmem:$0x10180] =	vst v0  }
0x37b: {  	[tilespmem:$0x10190] =	vst v0  }
0x37c: {  	[tilespmem:$0x101A0] =	vst v0  }
0x37d: {  	[tilespmem:$0x101B0] =	vst v0  }
0x37e: {  	[tilespmem:$0x101C0] =	vst v0  }
0x37f: {  	[tilespmem:$0x101D0] =	vst v0  }
0x380: {  	[tilespmem:$0x101E0] =	vst v0  }
0x381: {  	[tilespmem:$0x101F0] =	vst v0  }
0x382: {  	[tilespmem:$0x10200] =	vst v0  }
0x383: {  	[tilespmem:$0x10210] =	vst v0  }
0x384: {  	[tilespmem:$0x10220] =	vst v0  }
0x385: {  	[tilespmem:$0x10230] =	vst v0  }
0x386: {  	[tilespmem:$0x10240] =	vst v0  }
0x387: {  	[tilespmem:$0x10250] =	vst v0  }
0x388: {  	[tilespmem:$0x10260] =	vst v0  }
0x389: {  	[tilespmem:$0x10270] =	vst v0  }
0x38a: {  	[tilespmem:$0x10280] =	vst v0  }
0x38b: {  	[tilespmem:$0x10290] =	vst v0  }
0x38c: {  	[tilespmem:$0x102A0] =	vst v0  }
0x38d: {  	[tilespmem:$0x102B0] =	vst v0  }
0x38e: {  	[tilespmem:$0x102C0] =	vst v0  }
0x38f: {  	[tilespmem:$0x102D0] =	vst v0  }
0x390: {  	[tilespmem:$0x102E0] =	vst v0  }
0x391: {  	[tilespmem:$0x102F0] =	vst v0  }
0x392: {  	[tilespmem:$0x10300] =	vst v0  }
0x393: {  	[tilespmem:$0x10310] =	vst v0  }
0x394: {  	[tilespmem:$0x10320] =	vst v0  }
0x395: {  	[tilespmem:$0x10330] =	vst v0  }
0x396: {  	[tilespmem:$0x10340] =	vst v0  }
0x397: {  	[tilespmem:$0x10350] =	vst v0  }
0x398: {  	[tilespmem:$0x10360] =	vst v0  }
0x399: {  	[tilespmem:$0x10370] =	vst v0  }
0x39a: {  	[tilespmem:$0x10380] =	vst v0  }
0x39b: {  	[tilespmem:$0x10390] =	vst v0  }
0x39c: {  	[tilespmem:$0x103A0] =	vst v0  }
0x39d: {  	[tilespmem:$0x103B0] =	vst v0  }
0x39e: {  	[tilespmem:$0x103C0] =	vst v0  }
0x39f: {  	[tilespmem:$0x103D0] =	vst v0  }
0x3a0: {  	[tilespmem:$0x103E0] =	vst v0  }
0x3a1: {  	[tilespmem:$0x103F0] =	vst v0  }
0x3a2: {  	[tilespmem:$0x10400] =	vst v0  }
0x3a3: {  	[tilespmem:$0x10410] =	vst v0  }
0x3a4: {  	[tilespmem:$0x10420] =	vst v0  }
0x3a5: {  	[tilespmem:$0x10430] =	vst v0  }
0x3a6: {  	[tilespmem:$0x10440] =	vst v0  }
0x3a7: {  	[tilespmem:$0x10450] =	vst v0  }
0x3a8: {  	[tilespmem:$0x10460] =	vst v0  }
0x3a9: {  	[tilespmem:$0x10470] =	vst v0  }
0x3aa: {  	[tilespmem:$0x10480] =	vst v0  }
0x3ab: {  	[tilespmem:$0x10490] =	vst v0  }
0x3ac: {  	[tilespmem:$0x104A0] =	vst v0  }
0x3ad: {  	[tilespmem:$0x104B0] =	vst v0  }
0x3ae: {  	[tilespmem:$0x104C0] =	vst v0  }
0x3af: {  	[tilespmem:$0x104D0] =	vst v0  }
0x3b0: {  	[tilespmem:$0x104E0] =	vst v0  }
0x3b1: {  	[tilespmem:$0x104F0] =	vst v0  }
0x3b2: {  	[tilespmem:$0x10500] =	vst v0  }
0x3b3: {  	[tilespmem:$0x10510] =	vst v0  }
0x3b4: {  	[tilespmem:$0x10520] =	vst v0  }
0x3b5: {  	[tilespmem:$0x10530] =	vst v0  }
0x3b6: {  	[tilespmem:$0x10540] =	vst v0  }
0x3b7: {  	[tilespmem:$0x10550] =	vst v0  }
0x3b8: {  	[tilespmem:$0x10560] =	vst v0  }
0x3b9: {  	[tilespmem:$0x10570] =	vst v0  }
0x3ba: {  	[tilespmem:$0x10580] =	vst v0  }
0x3bb: {  	[tilespmem:$0x10590] =	vst v0  }
0x3bc: {  	[tilespmem:$0x105A0] =	vst v0  }
0x3bd: {  	[tilespmem:$0x105B0] =	vst v0  }
0x3be: {  	[tilespmem:$0x105C0] =	vst v0  }
0x3bf: {  	[tilespmem:$0x105D0] =	vst v0  }
0x3c0: {  	[tilespmem:$0x105E0] =	vst v0  }
0x3c1: {  	[tilespmem:$0x105F0] =	vst v0  }
0x3c2: {  	[tilespmem:$0x10600] =	vst v0  }
0x3c3: {  	[tilespmem:$0x10610] =	vst v0  }
0x3c4: {  	[tilespmem:$0x10620] =	vst v0  }
0x3c5: {  	[tilespmem:$0x10630] =	vst v0  }
0x3c6: {  	[tilespmem:$0x10640] =	vst v0  }
0x3c7: {  	[tilespmem:$0x10650] =	vst v0  }
0x3c8: {  	[tilespmem:$0x10660] =	vst v0  }
0x3c9: {  	[tilespmem:$0x10670] =	vst v0  }
0x3ca: {  	[tilespmem:$0x10680] =	vst v0  }
0x3cb: {  	[tilespmem:$0x10690] =	vst v0  }
0x3cc: {  	[tilespmem:$0x106A0] =	vst v0  }
0x3cd: {  	[tilespmem:$0x106B0] =	vst v0  }
0x3ce: {  	[tilespmem:$0x106C0] =	vst v0  }
0x3cf: {  	[tilespmem:$0x106D0] =	vst v0  }
0x3d0: {  	[tilespmem:$0x106E0] =	vst v0  }
0x3d1: {  	[tilespmem:$0x106F0] =	vst v0  }
0x3d2: {  	[tilespmem:$0x10700] =	vst v0  }
0x3d3: {  	[tilespmem:$0x10710] =	vst v0  }
0x3d4: {  	[tilespmem:$0x10720] =	vst v0  }
0x3d5: {  	[tilespmem:$0x10730] =	vst v0  }
0x3d6: {  	[tilespmem:$0x10740] =	vst v0  }
0x3d7: {  	[tilespmem:$0x10750] =	vst v0  }
0x3d8: {  	[tilespmem:$0x10760] =	vst v0  }
0x3d9: {  	[tilespmem:$0x10770] =	vst v0  }
0x3da: {  	[tilespmem:$0x10780] =	vst v0  }
0x3db: {  	[tilespmem:$0x10790] =	vst v0  }
0x3dc: {  	[tilespmem:$0x107A0] =	vst v0  }
0x3dd: {  	[tilespmem:$0x107B0] =	vst v0  }
0x3de: {  	[tilespmem:$0x107C0] =	vst v0  }
0x3df: {  	[tilespmem:$0x107D0] =	vst v0  }
0x3e0: {  	[tilespmem:$0x107E0] =	vst v0  }
0x3e1: {  	[tilespmem:$0x107F0] =	vst v0  }
0x3e2: {  	[tilespmem:$0x10800] =	vst v0  }
0x3e3: {  	[tilespmem:$0x10810] =	vst v0  }
0x3e4: {  	[tilespmem:$0x10820] =	vst v0  }
0x3e5: {  	[tilespmem:$0x10830] =	vst v0  }
0x3e6: {  	[tilespmem:$0x10840] =	vst v0  }
0x3e7: {  	[tilespmem:$0x10850] =	vst v0  }
0x3e8: {  	[tilespmem:$0x10860] =	vst v0  }
0x3e9: {  	[tilespmem:$0x10870] =	vst v0  }
0x3ea: {  	[tilespmem:$0x10880] =	vst v0  }
0x3eb: {  	[tilespmem:$0x10890] =	vst v0  }
0x3ec: {  	[tilespmem:$0x108A0] =	vst v0  }
0x3ed: {  	[tilespmem:$0x108B0] =	vst v0  }
0x3ee: {  	[tilespmem:$0x108C0] =	vst v0  }
0x3ef: {  	[tilespmem:$0x108D0] =	vst v0  }
0x3f0: {  	[tilespmem:$0x108E0] =	vst v0  }
0x3f1: {  	[tilespmem:$0x108F0] =	vst v0  }
0x3f2: {  	[tilespmem:$0x10900] =	vst v0  }
0x3f3: {  	[tilespmem:$0x10910] =	vst v0  }
0x3f4: {  	[tilespmem:$0x10920] =	vst v0  }
0x3f5: {  	[tilespmem:$0x10930] =	vst v0  }
0x3f6: {  	[tilespmem:$0x10940] =	vst v0  }
0x3f7: {  	[tilespmem:$0x10950] =	vst v0  }
0x3f8: {  	[tilespmem:$0x10960] =	vst v0  }
0x3f9: {  	[tilespmem:$0x10970] =	vst v0  }
0x3fa: {  	[tilespmem:$0x10980] =	vst v0  }
0x3fb: {  	[tilespmem:$0x10990] =	vst v0  }
0x3fc: {  	[tilespmem:$0x109A0] =	vst v0  }
0x3fd: {  	[tilespmem:$0x109B0] =	vst v0  }
0x3fe: {  	[tilespmem:$0x109C0] =	vst v0  }
0x3ff: {  	[tilespmem:$0x109D0] =	vst v0  }
0x400: {  	[tilespmem:$0x109E0] =	vst v0  }
0x401: {  	[tilespmem:$0x109F0] =	vst v0  }
0x402: {  	[tilespmem:$0x10A00] =	vst v0  }
0x403: {  	[tilespmem:$0x10A10] =	vst v0  }
0x404: {  	[tilespmem:$0x10A20] =	vst v0  }
0x405: {  	[tilespmem:$0x10A30] =	vst v0  }
0x406: {  	[tilespmem:$0x10A40] =	vst v0  }
0x407: {  	[tilespmem:$0x10A50] =	vst v0  }
0x408: {  	[tilespmem:$0x10A60] =	vst v0  }
0x409: {  	[tilespmem:$0x10A70] =	vst v0  }
0x40a: {  	[tilespmem:$0x10A80] =	vst v0  }
0x40b: {  	[tilespmem:$0x10A90] =	vst v0  }
0x40c: {  	[tilespmem:$0x10AA0] =	vst v0  }
0x40d: {  	[tilespmem:$0x10AB0] =	vst v0  }
0x40e: {  	[tilespmem:$0x10AC0] =	vst v0  }
0x40f: {  	[tilespmem:$0x10AD0] =	vst v0  }
0x410: {  	[tilespmem:$0x10AE0] =	vst v0  }
0x411: {  	[tilespmem:$0x10AF0] =	vst v0  }
0x412: {  	[tilespmem:$0x10B00] =	vst v0  }
0x413: {  	[tilespmem:$0x10B10] =	vst v0  }
0x414: {  	[tilespmem:$0x10B20] =	vst v0  }
0x415: {  	[tilespmem:$0x10B30] =	vst v0  }
0x416: {  	[tilespmem:$0x10B40] =	vst v0  }
0x417: {  	[tilespmem:$0x10B50] =	vst v0  }
0x418: {  	[tilespmem:$0x10B60] =	vst v0  }
0x419: {  	[tilespmem:$0x10B70] =	vst v0  }
0x41a: {  	[tilespmem:$0x10B80] =	vst v0  }
0x41b: {  	[tilespmem:$0x10B90] =	vst v0  }
0x41c: {  	[tilespmem:$0x10BA0] =	vst v0  }
0x41d: {  	[tilespmem:$0x10BB0] =	vst v0  }
0x41e: {  	[tilespmem:$0x10BC0] =	vst v0  }
0x41f: {  	[tilespmem:$0x10BD0] =	vst v0  }
0x420: {  	[tilespmem:$0x10BE0] =	vst v0  }
0x421: {  	[tilespmem:$0x10BF0] =	vst v0  }
0x422: {  	[tilespmem:$0x10C00] =	vst v0  }
0x423: {  	[tilespmem:$0x10C10] =	vst v0  }
0x424: {  	[tilespmem:$0x10C20] =	vst v0  }
0x425: {  	[tilespmem:$0x10C30] =	vst v0  }
0x426: {  	[tilespmem:$0x10C40] =	vst v0  }
0x427: {  	[tilespmem:$0x10C50] =	vst v0  }
0x428: {  	[tilespmem:$0x10C60] =	vst v0  }
0x429: {  	[tilespmem:$0x10C70] =	vst v0  }
0x42a: {  	[tilespmem:$0x10C80] =	vst v0  }
0x42b: {  	[tilespmem:$0x10C90] =	vst v0  }
0x42c: {  	[tilespmem:$0x10CA0] =	vst v0  }
0x42d: {  	[tilespmem:$0x10CB0] =	vst v0  }
0x42e: {  	[tilespmem:$0x10CC0] =	vst v0  }
0x42f: {  	[tilespmem:$0x10CD0] =	vst v0  }
0x430: {  	[tilespmem:$0x10CE0] =	vst v0  }
0x431: {  	[tilespmem:$0x10CF0] =	vst v0  }
0x432: {  	[tilespmem:$0x10D00] =	vst v0  }
0x433: {  	[tilespmem:$0x10D10] =	vst v0  }
0x434: {  	[tilespmem:$0x10D20] =	vst v0  }
0x435: {  	[tilespmem:$0x10D30] =	vst v0  }
0x436: {  	[tilespmem:$0x10D40] =	vst v0  }
0x437: {  	[tilespmem:$0x10D50] =	vst v0  }
0x438: {  	[tilespmem:$0x10D60] =	vst v0  }
0x439: {  	[tilespmem:$0x10D70] =	vst v0  }
0x43a: {  	[tilespmem:$0x10D80] =	vst v0  }
0x43b: {  	[tilespmem:$0x10D90] =	vst v0  }
0x43c: {  	[tilespmem:$0x10DA0] =	vst v0  }
0x43d: {  	[tilespmem:$0x10DB0] =	vst v0  }
0x43e: {  	[tilespmem:$0x10DC0] =	vst v0  }
0x43f: {  	[tilespmem:$0x10DD0] =	vst v0  }
0x440: {  	[tilespmem:$0x10DE0] =	vst v0  }
0x441: {  	[tilespmem:$0x10DF0] =	vst v0  }
0x442: {  	[tilespmem:$0x10E00] =	vst v0  }
0x443: {  	[tilespmem:$0x10E10] =	vst v0  }
0x444: {  	[tilespmem:$0x10E20] =	vst v0  }
0x445: {  	[tilespmem:$0x10E30] =	vst v0  }
0x446: {  	[tilespmem:$0x10E40] =	vst v0  }
0x447: {  	[tilespmem:$0x10E50] =	vst v0  }
0x448: {  	[tilespmem:$0x10E60] =	vst v0  }
0x449: {  	[tilespmem:$0x10E70] =	vst v0  }
0x44a: {  	[tilespmem:$0x10E80] =	vst v0  }
0x44b: {  	[tilespmem:$0x10E90] =	vst v0  }
0x44c: {  	[tilespmem:$0x10EA0] =	vst v0  }
0x44d: {  	[tilespmem:$0x10EB0] =	vst v0  }
0x44e: {  	[tilespmem:$0x10EC0] =	vst v0  }
0x44f: {  	[tilespmem:$0x10ED0] =	vst v0  }
0x450: {  	[tilespmem:$0x10EE0] =	vst v0  }
0x451: {  	[tilespmem:$0x10EF0] =	vst v0  }
0x452: {  	[tilespmem:$0x10F00] =	vst v0  }
0x453: {  	[tilespmem:$0x10F10] =	vst v0  }
0x454: {  	[tilespmem:$0x10F20] =	vst v0  }
0x455: {  	[tilespmem:$0x10F30] =	vst v0  }
0x456: {  	[tilespmem:$0x10F40] =	vst v0  }
0x457: {  	[tilespmem:$0x10F50] =	vst v0  }
0x458: {  	[tilespmem:$0x10F60] =	vst v0  }
0x459: {  	[tilespmem:$0x10F70] =	vst v0  }
0x45a: {  	[tilespmem:$0x10F80] =	vst v0  }
0x45b: {  	[tilespmem:$0x10F90] =	vst v0  }
0x45c: {  	[tilespmem:$0x10FA0] =	vst v0  }
0x45d: {  	[tilespmem:$0x10FB0] =	vst v0  }
0x45e: {  	[tilespmem:$0x10FC0] =	vst v0  }
0x45f: {  	[tilespmem:$0x10FD0] =	vst v0  }
0x460: {  	[tilespmem:$0x10FE0] =	vst v0  }
0x461: {  	[tilespmem:$0x10FF0] =	vst v0  }
0x462: {  	[tilespmem:$0x11000] =	vst v0  }
0x463: {  	[tilespmem:$0x11010] =	vst v0  }
0x464: {  	[tilespmem:$0x11020] =	vst v0  }
0x465: {  	[tilespmem:$0x11030] =	vst v0  }
0x466: {  	[tilespmem:$0x11040] =	vst v0  }
0x467: {  	[tilespmem:$0x11050] =	vst v0  }
0x468: {  	[tilespmem:$0x11060] =	vst v0  }
0x469: {  	[tilespmem:$0x11070] =	vst v0  }
0x46a: {  	[tilespmem:$0x11080] =	vst v0  }
0x46b: {  	[tilespmem:$0x11090] =	vst v0  }
0x46c: {  	[tilespmem:$0x110A0] =	vst v0  }
0x46d: {  	[tilespmem:$0x110B0] =	vst v0  }
0x46e: {  	[tilespmem:$0x110C0] =	vst v0  }
0x46f: {  	[tilespmem:$0x110D0] =	vst v0  }
0x470: {  	[tilespmem:$0x110E0] =	vst v0  }
0x471: {  	[tilespmem:$0x110F0] =	vst v0  }
0x472: {  	[tilespmem:$0x11100] =	vst v0  }
0x473: {  	[tilespmem:$0x11110] =	vst v0  }
0x474: {  	[tilespmem:$0x11120] =	vst v0  }
0x475: {  	[tilespmem:$0x11130] =	vst v0  }
0x476: {  	[tilespmem:$0x11140] =	vst v0  }
0x477: {  	[tilespmem:$0x11150] =	vst v0  }
0x478: {  	[tilespmem:$0x11160] =	vst v0  }
0x479: {  	[tilespmem:$0x11170] =	vst v0  }
0x47a: {  	[tilespmem:$0x11180] =	vst v0  }
0x47b: {  	[tilespmem:$0x11190] =	vst v0  }
0x47c: {  	[tilespmem:$0x111A0] =	vst v0  }
0x47d: {  	[tilespmem:$0x111B0] =	vst v0  }
0x47e: {  	[tilespmem:$0x111C0] =	vst v0  }
0x47f: {  	[tilespmem:$0x111D0] =	vst v0  }
0x480: {  	[tilespmem:$0x111E0] =	vst v0  }
0x481: {  	[tilespmem:$0x111F0] =	vst v0  }
0x482: {  	[tilespmem:$0x11200] =	vst v0  }
0x483: {  	[tilespmem:$0x11210] =	vst v0  }
0x484: {  	[tilespmem:$0x11220] =	vst v0  }
0x485: {  	[tilespmem:$0x11230] =	vst v0  }
0x486: {  	[tilespmem:$0x11240] =	vst v0  }
0x487: {  	[tilespmem:$0x11250] =	vst v0  }
0x488: {  	[tilespmem:$0x11260] =	vst v0  }
0x489: {  	[tilespmem:$0x11270] =	vst v0  }
0x48a: {  	[tilespmem:$0x11280] =	vst v0  }
0x48b: {  	[tilespmem:$0x11290] =	vst v0  }
0x48c: {  	[tilespmem:$0x112A0] =	vst v0  }
0x48d: {  	[tilespmem:$0x112B0] =	vst v0  }
0x48e: {  	[tilespmem:$0x112C0] =	vst v0  }
0x48f: {  	[tilespmem:$0x112D0] =	vst v0  }
0x490: {  	[tilespmem:$0x112E0] =	vst v0  }
0x491: {  	[tilespmem:$0x112F0] =	vst v0  }
0x492: {  	[tilespmem:$0x11300] =	vst v0  }
0x493: {  	[tilespmem:$0x11310] =	vst v0  }
0x494: {  	[tilespmem:$0x11320] =	vst v0  }
0x495: {  	[tilespmem:$0x11330] =	vst v0  }
0x496: {  	[tilespmem:$0x11340] =	vst v0  }
0x497: {  	[tilespmem:$0x11350] =	vst v0  }
0x498: {  	[tilespmem:$0x11360] =	vst v0  }
0x499: {  	[tilespmem:$0x11370] =	vst v0  }
0x49a: {  	[tilespmem:$0x11380] =	vst v0  }
0x49b: {  	[tilespmem:$0x11390] =	vst v0  }
0x49c: {  	[tilespmem:$0x113A0] =	vst v0  }
0x49d: {  	[tilespmem:$0x113B0] =	vst v0  }
0x49e: {  	[tilespmem:$0x113C0] =	vst v0  }
0x49f: {  	[tilespmem:$0x113D0] =	vst v0  }
0x4a0: {  	[tilespmem:$0x113E0] =	vst v0  }
0x4a1: {  	[tilespmem:$0x113F0] =	vst v0  }
0x4a2: {  	[tilespmem:$0x11400] =	vst v0  }
0x4a3: {  	[tilespmem:$0x11410] =	vst v0  }
0x4a4: {  	[tilespmem:$0x11420] =	vst v0  }
0x4a5: {  	[tilespmem:$0x11430] =	vst v0  }
0x4a6: {  	[tilespmem:$0x11440] =	vst v0  }
0x4a7: {  	[tilespmem:$0x11450] =	vst v0  }
0x4a8: {  	[tilespmem:$0x11460] =	vst v0  }
0x4a9: {  	[tilespmem:$0x11470] =	vst v0  }
0x4aa: {  	[tilespmem:$0x11480] =	vst v0  }
0x4ab: {  	[tilespmem:$0x11490] =	vst v0  }
0x4ac: {  	[tilespmem:$0x114A0] =	vst v0  }
0x4ad: {  	[tilespmem:$0x114B0] =	vst v0  }
0x4ae: {  	[tilespmem:$0x114C0] =	vst v0  }
0x4af: {  	[tilespmem:$0x114D0] =	vst v0  }
0x4b0: {  	[tilespmem:$0x114E0] =	vst v0  }
0x4b1: {  	[tilespmem:$0x114F0] =	vst v0  }
0x4b2: {  	[tilespmem:$0x11500] =	vst v0  }
0x4b3: {  	[tilespmem:$0x11510] =	vst v0  }
0x4b4: {  	[tilespmem:$0x11520] =	vst v0  }
0x4b5: {  	[tilespmem:$0x11530] =	vst v0  }
0x4b6: {  	[tilespmem:$0x11540] =	vst v0  }
0x4b7: {  	[tilespmem:$0x11550] =	vst v0  }
0x4b8: {  	[tilespmem:$0x11560] =	vst v0  }
0x4b9: {  	[tilespmem:$0x11570] =	vst v0  }
0x4ba: {  	[tilespmem:$0x11580] =	vst v0  }
0x4bb: {  	[tilespmem:$0x11590] =	vst v0  }
0x4bc: {  	[tilespmem:$0x115A0] =	vst v0  }
0x4bd: {  	[tilespmem:$0x115B0] =	vst v0  }
0x4be: {  	[tilespmem:$0x115C0] =	vst v0  }
0x4bf: {  	[tilespmem:$0x115D0] =	vst v0  }
0x4c0: {  	[tilespmem:$0x115E0] =	vst v0  }
0x4c1: {  	[tilespmem:$0x115F0] =	vst v0  }
0x4c2: {  	[tilespmem:$0x11600] =	vst v0  }
0x4c3: {  	[tilespmem:$0x11610] =	vst v0  }
0x4c4: {  	[tilespmem:$0x11620] =	vst v0  }
0x4c5: {  	[tilespmem:$0x11630] =	vst v0  }
0x4c6: {  	[tilespmem:$0x11640] =	vst v0  }
0x4c7: {  	[tilespmem:$0x11650] =	vst v0  }
0x4c8: {  	[tilespmem:$0x11660] =	vst v0  }
0x4c9: {  	[tilespmem:$0x11670] =	vst v0  }
0x4ca: {  	[tilespmem:$0x11680] =	vst v0  }
0x4cb: {  	[tilespmem:$0x11690] =	vst v0  }
0x4cc: {  	[tilespmem:$0x116A0] =	vst v0  }
0x4cd: {  	[tilespmem:$0x116B0] =	vst v0  }
0x4ce: {  	[tilespmem:$0x116C0] =	vst v0  }
0x4cf: {  	[tilespmem:$0x116D0] =	vst v0  }
0x4d0: {  	[tilespmem:$0x116E0] =	vst v0  }
0x4d1: {  	[tilespmem:$0x116F0] =	vst v0  }
0x4d2: {  	[tilespmem:$0x11700] =	vst v0  }
0x4d3: {  	[tilespmem:$0x11710] =	vst v0  }
0x4d4: {  	[tilespmem:$0x11720] =	vst v0  }
0x4d5: {  	[tilespmem:$0x11730] =	vst v0  }
0x4d6: {  	[tilespmem:$0x11740] =	vst v0  }
0x4d7: {  	[tilespmem:$0x11750] =	vst v0  }
0x4d8: {  	[tilespmem:$0x11760] =	vst v0  }
0x4d9: {  	[tilespmem:$0x11770] =	vst v0  }
0x4da: {  	[tilespmem:$0x11780] =	vst v0  }
0x4db: {  	[tilespmem:$0x11790] =	vst v0  }
0x4dc: {  	[tilespmem:$0x117A0] =	vst v0  }
0x4dd: {  	[tilespmem:$0x117B0] =	vst v0  }
0x4de: {  	[tilespmem:$0x117C0] =	vst v0  }
0x4df: {  	[tilespmem:$0x117D0] =	vst v0  }
0x4e0: {  	[tilespmem:$0x117E0] =	vst v0  }
0x4e1: {  	[tilespmem:$0x117F0] =	vst v0  }
0x4e2: {  	[tilespmem:$0x11800] =	vst v0  }
0x4e3: {  	[tilespmem:$0x11810] =	vst v0  }
0x4e4: {  	[tilespmem:$0x11820] =	vst v0  }
0x4e5: {  	[tilespmem:$0x11830] =	vst v0  }
0x4e6: {  	[tilespmem:$0x11840] =	vst v0  }
0x4e7: {  	[tilespmem:$0x11850] =	vst v0  }
0x4e8: {  	[tilespmem:$0x11860] =	vst v0  }
0x4e9: {  	[tilespmem:$0x11870] =	vst v0  }
0x4ea: {  	[tilespmem:$0x11880] =	vst v0  }
0x4eb: {  	[tilespmem:$0x11890] =	vst v0  }
0x4ec: {  	[tilespmem:$0x118A0] =	vst v0  }
0x4ed: {  	[tilespmem:$0x118B0] =	vst v0  }
0x4ee: {  	[tilespmem:$0x118C0] =	vst v0  }
0x4ef: {  	[tilespmem:$0x118D0] =	vst v0  }
0x4f0: {  	[tilespmem:$0x118E0] =	vst v0  }
0x4f1: {  	[tilespmem:$0x118F0] =	vst v0  }
0x4f2: {  	[tilespmem:$0x11900] =	vst v0  }
0x4f3: {  	[tilespmem:$0x11910] =	vst v0  }
0x4f4: {  	[tilespmem:$0x11920] =	vst v0  }
0x4f5: {  	[tilespmem:$0x11930] =	vst v0  }
0x4f6: {  	[tilespmem:$0x11940] =	vst v0  }
0x4f7: {  	[tilespmem:$0x11950] =	vst v0  }
0x4f8: {  	[tilespmem:$0x11960] =	vst v0  }
0x4f9: {  	[tilespmem:$0x11970] =	vst v0  }
0x4fa: {  	[tilespmem:$0x11980] =	vst v0  }
0x4fb: {  	[tilespmem:$0x11990] =	vst v0  }
0x4fc: {  	[tilespmem:$0x119A0] =	vst v0  }
0x4fd: {  	[tilespmem:$0x119B0] =	vst v0  }
0x4fe: {  	[tilespmem:$0x119C0] =	vst v0  }
0x4ff: {  	[tilespmem:$0x119D0] =	vst v0  }
0x500: {  	[tilespmem:$0x119E0] =	vst v0  }
0x501: {  	[tilespmem:$0x119F0] =	vst v0  }
0x502: {  	[tilespmem:$0x11A00] =	vst v0  }
0x503: {  	[tilespmem:$0x11A10] =	vst v0  }
0x504: {  	[tilespmem:$0x11A20] =	vst v0  }
0x505: {  	[tilespmem:$0x11A30] =	vst v0  }
0x506: {  	[tilespmem:$0x11A40] =	vst v0  }
0x507: {  	[tilespmem:$0x11A50] =	vst v0  }
0x508: {  	[tilespmem:$0x11A60] =	vst v0  }
0x509: {  	[tilespmem:$0x11A70] =	vst v0  }
0x50a: {  	[tilespmem:$0x11A80] =	vst v0  }
0x50b: {  	[tilespmem:$0x11A90] =	vst v0  }
0x50c: {  	[tilespmem:$0x11AA0] =	vst v0  }
0x50d: {  	[tilespmem:$0x11AB0] =	vst v0  }
0x50e: {  	[tilespmem:$0x11AC0] =	vst v0  }
0x50f: {  	[tilespmem:$0x11AD0] =	vst v0  }
0x510: {  	[tilespmem:$0x11AE0] =	vst v0  }
0x511: {  	[tilespmem:$0x11AF0] =	vst v0  }
0x512: {  	[tilespmem:$0x11B00] =	vst v0  }
0x513: {  	[tilespmem:$0x11B10] =	vst v0  }
0x514: {  	[tilespmem:$0x11B20] =	vst v0  }
0x515: {  	[tilespmem:$0x11B30] =	vst v0  }
0x516: {  	[tilespmem:$0x11B40] =	vst v0  }
0x517: {  	[tilespmem:$0x11B50] =	vst v0  }
0x518: {  	[tilespmem:$0x11B60] =	vst v0  }
0x519: {  	[tilespmem:$0x11B70] =	vst v0  }
0x51a: {  	[tilespmem:$0x11B80] =	vst v0  }
0x51b: {  	[tilespmem:$0x11B90] =	vst v0  }
0x51c: {  	[tilespmem:$0x11BA0] =	vst v0  }
0x51d: {  	[tilespmem:$0x11BB0] =	vst v0  }
0x51e: {  	[tilespmem:$0x11BC0] =	vst v0  }
0x51f: {  	[tilespmem:$0x11BD0] =	vst v0  }
0x520: {  	[tilespmem:$0x11BE0] =	vst v0  }
0x521: {  	[tilespmem:$0x11BF0] =	vst v0  }
0x522: {  	[tilespmem:$0x11C00] =	vst v0  }
0x523: {  	[tilespmem:$0x11C10] =	vst v0  }
0x524: {  	[tilespmem:$0x11C20] =	vst v0  }
0x525: {  	[tilespmem:$0x11C30] =	vst v0  }
0x526: {  	[tilespmem:$0x11C40] =	vst v0  }
0x527: {  	[tilespmem:$0x11C50] =	vst v0  }
0x528: {  	[tilespmem:$0x11C60] =	vst v0  }
0x529: {  	[tilespmem:$0x11C70] =	vst v0  }
0x52a: {  	[tilespmem:$0x11C80] =	vst v0  }
0x52b: {  	[tilespmem:$0x11C90] =	vst v0  }
0x52c: {  	[tilespmem:$0x11CA0] =	vst v0  }
0x52d: {  	[tilespmem:$0x11CB0] =	vst v0  }
0x52e: {  	[tilespmem:$0x11CC0] =	vst v0  }
0x52f: {  	[tilespmem:$0x11CD0] =	vst v0  }
0x530: {  	[tilespmem:$0x11CE0] =	vst v0  }
0x531: {  	[tilespmem:$0x11CF0] =	vst v0  }
0x532: {  	[tilespmem:$0x11D00] =	vst v0  }
0x533: {  	[tilespmem:$0x11D10] =	vst v0  }
0x534: {  	[tilespmem:$0x11D20] =	vst v0  }
0x535: {  	[tilespmem:$0x11D30] =	vst v0  }
0x536: {  	[tilespmem:$0x11D40] =	vst v0  }
0x537: {  	[tilespmem:$0x11D50] =	vst v0  }
0x538: {  	[tilespmem:$0x11D60] =	vst v0  }
0x539: {  	[tilespmem:$0x11D70] =	vst v0  }
0x53a: {  	[tilespmem:$0x11D80] =	vst v0  }
0x53b: {  	[tilespmem:$0x11D90] =	vst v0  }
0x53c: {  	[tilespmem:$0x11DA0] =	vst v0  }
0x53d: {  	[tilespmem:$0x11DB0] =	vst v0  }
0x53e: {  	[tilespmem:$0x11DC0] =	vst v0  }
0x53f: {  	[tilespmem:$0x11DD0] =	vst v0  }
0x540: {  	[tilespmem:$0x11DE0] =	vst v0  }
0x541: {  	[tilespmem:$0x11DF0] =	vst v0  }
0x542: {  	[tilespmem:$0x11E00] =	vst v0  }
0x543: {  	[tilespmem:$0x11E10] =	vst v0  }
0x544: {  	[tilespmem:$0x11E20] =	vst v0  }
0x545: {  	[tilespmem:$0x11E30] =	vst v0  }
0x546: {  	[tilespmem:$0x11E40] =	vst v0  }
0x547: {  	[tilespmem:$0x11E50] =	vst v0  }
0x548: {  	[tilespmem:$0x11E60] =	vst v0  }
0x549: {  	[tilespmem:$0x11E70] =	vst v0  }
0x54a: {  	[tilespmem:$0x11E80] =	vst v0  }
0x54b: {  	[tilespmem:$0x11E90] =	vst v0  }
0x54c: {  	[tilespmem:$0x11EA0] =	vst v0  }
0x54d: {  	[tilespmem:$0x11EB0] =	vst v0  }
0x54e: {  	[tilespmem:$0x11EC0] =	vst v0  }
0x54f: {  	[tilespmem:$0x11ED0] =	vst v0  }
0x550: {  	[tilespmem:$0x11EE0] =	vst v0  }
0x551: {  	[tilespmem:$0x11EF0] =	vst v0  }
0x552: {  	[tilespmem:$0x11F00] =	vst v0  }
0x553: {  	[tilespmem:$0x11F10] =	vst v0  }
0x554: {  	[tilespmem:$0x11F20] =	vst v0  }
0x555: {  	[tilespmem:$0x11F30] =	vst v0  }
0x556: {  	[tilespmem:$0x11F40] =	vst v0  }
0x557: {  	[tilespmem:$0x11F50] =	vst v0  }
0x558: {  	[tilespmem:$0x11F60] =	vst v0  }
0x559: {  	[tilespmem:$0x11F70] =	vst v0  }
0x55a: {  	[tilespmem:$0x11F80] =	vst v0  }
0x55b: {  	[tilespmem:$0x11F90] =	vst v0  }
0x55c: {  	[tilespmem:$0x11FA0] =	vst v0  }
0x55d: {  	[tilespmem:$0x11FB0] =	vst v0  }
0x55e: {  	[tilespmem:$0x11FC0] =	vst v0  }
0x55f: {  	[tilespmem:$0x11FD0] =	vst v0  }
0x560: {  	[tilespmem:$0x11FE0] =	vst v0  }
0x561: {  	[tilespmem:$0x11FF0] =	vst v0  }
0x562: {  	[tilespmem:$0x12000] =	vst v0  }
0x563: {  	[tilespmem:$0x12010] =	vst v0  }
0x564: {  	[tilespmem:$0x12020] =	vst v0  }
0x565: {  	[tilespmem:$0x12030] =	vst v0  }
0x566: {  	[tilespmem:$0x12040] =	vst v0  }
0x567: {  	[tilespmem:$0x12050] =	vst v0  }
0x568: {  	[tilespmem:$0x12060] =	vst v0  }
0x569: {  	[tilespmem:$0x12070] =	vst v0  }
0x56a: {  	[tilespmem:$0x12080] =	vst v0  }
0x56b: {  	[tilespmem:$0x12090] =	vst v0  }
0x56c: {  	[tilespmem:$0x120A0] =	vst v0  }
0x56d: {  	[tilespmem:$0x120B0] =	vst v0  }
0x56e: {  	[tilespmem:$0x120C0] =	vst v0  }
0x56f: {  	[tilespmem:$0x120D0] =	vst v0  }
0x570: {  	[tilespmem:$0x120E0] =	vst v0  }
0x571: {  	[tilespmem:$0x120F0] =	vst v0  }
0x572: {  	[tilespmem:$0x12100] =	vst v0  }
0x573: {  	[tilespmem:$0x12110] =	vst v0  }
0x574: {  	[tilespmem:$0x12120] =	vst v0  }
0x575: {  	[tilespmem:$0x12130] =	vst v0  }
0x576: {  	[tilespmem:$0x12140] =	vst v0  }
0x577: {  	[tilespmem:$0x12150] =	vst v0  }
0x578: {  	[tilespmem:$0x12160] =	vst v0  }
0x579: {  	[tilespmem:$0x12170] =	vst v0  }
0x57a: {  	[tilespmem:$0x12180] =	vst v0  }
0x57b: {  	[tilespmem:$0x12190] =	vst v0  }
0x57c: {  	[tilespmem:$0x121A0] =	vst v0  }
0x57d: {  	[tilespmem:$0x121B0] =	vst v0  }
0x57e: {  	[tilespmem:$0x121C0] =	vst v0  }
0x57f: {  	[tilespmem:$0x121D0] =	vst v0  }
0x580: {  	[tilespmem:$0x121E0] =	vst v0  }
0x581: {  	[tilespmem:$0x121F0] =	vst v0  }
0x582: {  	[tilespmem:$0x12200] =	vst v0  }
0x583: {  	[tilespmem:$0x12210] =	vst v0  }
0x584: {  	[tilespmem:$0x12220] =	vst v0  }
0x585: {  	[tilespmem:$0x12230] =	vst v0  }
0x586: {  	[tilespmem:$0x12240] =	vst v0  }
0x587: {  	[tilespmem:$0x12250] =	vst v0  }
0x588: {  	[tilespmem:$0x12260] =	vst v0  }
0x589: {  	[tilespmem:$0x12270] =	vst v0  }
0x58a: {  	[tilespmem:$0x12280] =	vst v0  }
0x58b: {  	[tilespmem:$0x12290] =	vst v0  }
0x58c: {  	[tilespmem:$0x122A0] =	vst v0  }
0x58d: {  	[tilespmem:$0x122B0] =	vst v0  }
0x58e: {  	[tilespmem:$0x122C0] =	vst v0  }
0x58f: {  	[tilespmem:$0x122D0] =	vst v0  }
0x590: {  	[tilespmem:$0x122E0] =	vst v0  }
0x591: {  	[tilespmem:$0x122F0] =	vst v0  }
0x592: {  	[tilespmem:$0x12300] =	vst v0  }
0x593: {  	[tilespmem:$0x12310] =	vst v0  }
0x594: {  	[tilespmem:$0x12320] =	vst v0  }
0x595: {  	[tilespmem:$0x12330] =	vst v0  }
0x596: {  	[tilespmem:$0x12340] =	vst v0  }
0x597: {  	[tilespmem:$0x12350] =	vst v0  }
0x598: {  	[tilespmem:$0x12360] =	vst v0  }
0x599: {  	[tilespmem:$0x12370] =	vst v0  }
0x59a: {  	[tilespmem:$0x12380] =	vst v0  }
0x59b: {  	[tilespmem:$0x12390] =	vst v0  }
0x59c: {  	[tilespmem:$0x123A0] =	vst v0  }
0x59d: {  	[tilespmem:$0x123B0] =	vst v0  }
0x59e: {  	[tilespmem:$0x123C0] =	vst v0  }
0x59f: {  	[tilespmem:$0x123D0] =	vst v0  }
0x5a0: {  	[tilespmem:$0x123E0] =	vst v0  }
0x5a1: {  	[tilespmem:$0x123F0] =	vst v0  }
0x5a2: {  	[tilespmem:$0x12400] =	vst v0  }
0x5a3: {  	[tilespmem:$0x12410] =	vst v0  }
0x5a4: {  	[tilespmem:$0x12420] =	vst v0  }
0x5a5: {  	[tilespmem:$0x12430] =	vst v0  }
0x5a6: {  	[tilespmem:$0x12440] =	vst v0  }
0x5a7: {  	[tilespmem:$0x12450] =	vst v0  }
0x5a8: {  	[tilespmem:$0x12460] =	vst v0  }
0x5a9: {  	[tilespmem:$0x12470] =	vst v0  }
0x5aa: {  	[tilespmem:$0x12480] =	vst v0  }
0x5ab: {  	[tilespmem:$0x12490] =	vst v0  }
0x5ac: {  	[tilespmem:$0x124A0] =	vst v0  }
0x5ad: {  	[tilespmem:$0x124B0] =	vst v0  }
0x5ae: {  	[tilespmem:$0x124C0] =	vst v0  }
0x5af: {  	[tilespmem:$0x124D0] =	vst v0  }
0x5b0: {  	[tilespmem:$0x124E0] =	vst v0  }
0x5b1: {  	[tilespmem:$0x124F0] =	vst v0  }
0x5b2: {  	[tilespmem:$0x12500] =	vst v0  }
0x5b3: {  	[tilespmem:$0x12510] =	vst v0  }
0x5b4: {  	[tilespmem:$0x12520] =	vst v0  }
0x5b5: {  	[tilespmem:$0x12530] =	vst v0  }
0x5b6: {  	[tilespmem:$0x12540] =	vst v0  }
0x5b7: {  	[tilespmem:$0x12550] =	vst v0  }
0x5b8: {  	[tilespmem:$0x12560] =	vst v0  }
0x5b9: {  	[tilespmem:$0x12570] =	vst v0  }
0x5ba: {  	[tilespmem:$0x12580] =	vst v0  }
0x5bb: {  	[tilespmem:$0x12590] =	vst v0  }
0x5bc: {  	[tilespmem:$0x125A0] =	vst v0  }
0x5bd: {  	[tilespmem:$0x125B0] =	vst v0  }
0x5be: {  	[tilespmem:$0x125C0] =	vst v0  }
0x5bf: {  	[tilespmem:$0x125D0] =	vst v0  }
0x5c0: {  	[tilespmem:$0x125E0] =	vst v0  }
0x5c1: {  	[tilespmem:$0x125F0] =	vst v0  }
0x5c2: {  	[tilespmem:$0x12600] =	vst v0  }
0x5c3: {  	[tilespmem:$0x12610] =	vst v0  }
0x5c4: {  	[tilespmem:$0x12620] =	vst v0  }
0x5c5: {  	[tilespmem:$0x12630] =	vst v0  }
0x5c6: {  	[tilespmem:$0x12640] =	vst v0  }
0x5c7: {  	[tilespmem:$0x12650] =	vst v0  }
0x5c8: {  	[tilespmem:$0x12660] =	vst v0  }
0x5c9: {  	[tilespmem:$0x12670] =	vst v0  }
0x5ca: {  	[tilespmem:$0x12680] =	vst v0  }
0x5cb: {  	[tilespmem:$0x12690] =	vst v0  }
0x5cc: {  	[tilespmem:$0x126A0] =	vst v0  }
0x5cd: {  	[tilespmem:$0x126B0] =	vst v0  }
0x5ce: {  	[tilespmem:$0x126C0] =	vst v0  }
0x5cf: {  	[tilespmem:$0x126D0] =	vst v0  }
0x5d0: {  	[tilespmem:$0x126E0] =	vst v0  }
0x5d1: {  	[tilespmem:$0x126F0] =	vst v0  }
0x5d2: {  	[tilespmem:$0x12700] =	vst v0  }
0x5d3: {  	[tilespmem:$0x12710] =	vst v0  }
0x5d4: {  	[tilespmem:$0x12720] =	vst v0  }
0x5d5: {  	[tilespmem:$0x12730] =	vst v0  }
0x5d6: {  	[tilespmem:$0x12740] =	vst v0  }
0x5d7: {  	[tilespmem:$0x12750] =	vst v0  }
0x5d8: {  	[tilespmem:$0x12760] =	vst v0  }
0x5d9: {  	[tilespmem:$0x12770] =	vst v0  }
0x5da: {  	[tilespmem:$0x12780] =	vst v0  }
0x5db: {  	[tilespmem:$0x12790] =	vst v0  }
0x5dc: {  	[tilespmem:$0x127A0] =	vst v0  }
0x5dd: {  	[tilespmem:$0x127B0] =	vst v0  }
0x5de: {  	[tilespmem:$0x127C0] =	vst v0  }
0x5df: {  	[tilespmem:$0x127D0] =	vst v0  }
0x5e0: {  	[tilespmem:$0x127E0] =	vst v0  }
0x5e1: {  	[tilespmem:$0x127F0] =	vst v0  }
0x5e2: {  	[tilespmem:$0x12800] =	vst v0  }
0x5e3: {  	[tilespmem:$0x12810] =	vst v0  }
0x5e4: {  	[tilespmem:$0x12820] =	vst v0  }
0x5e5: {  	[tilespmem:$0x12830] =	vst v0  }
0x5e6: {  	[tilespmem:$0x12840] =	vst v0  }
0x5e7: {  	[tilespmem:$0x12850] =	vst v0  }
0x5e8: {  	[tilespmem:$0x12860] =	vst v0  }
0x5e9: {  	[tilespmem:$0x12870] =	vst v0  }
0x5ea: {  	[tilespmem:$0x12880] =	vst v0  }
0x5eb: {  	[tilespmem:$0x12890] =	vst v0  }
0x5ec: {  	[tilespmem:$0x128A0] =	vst v0  }
0x5ed: {  	[tilespmem:$0x128B0] =	vst v0  }
0x5ee: {  	[tilespmem:$0x128C0] =	vst v0  }
0x5ef: {  	[tilespmem:$0x128D0] =	vst v0  }
0x5f0: {  	[tilespmem:$0x128E0] =	vst v0  }
0x5f1: {  	[tilespmem:$0x128F0] =	vst v0  }
0x5f2: {  	[tilespmem:$0x12900] =	vst v0  }
0x5f3: {  	[tilespmem:$0x12910] =	vst v0  }
0x5f4: {  	[tilespmem:$0x12920] =	vst v0  }
0x5f5: {  	[tilespmem:$0x12930] =	vst v0  }
0x5f6: {  	[tilespmem:$0x12940] =	vst v0  }
0x5f7: {  	[tilespmem:$0x12950] =	vst v0  }
0x5f8: {  	[tilespmem:$0x12960] =	vst v0  }
0x5f9: {  	[tilespmem:$0x12970] =	vst v0  }
0x5fa: {  	[tilespmem:$0x12980] =	vst v0  }
0x5fb: {  	[tilespmem:$0x12990] =	vst v0  }
0x5fc: {  	[tilespmem:$0x129A0] =	vst v0  }
0x5fd: {  	[tilespmem:$0x129B0] =	vst v0  }
0x5fe: {  	[tilespmem:$0x129C0] =	vst v0  }
0x5ff: {  	[tilespmem:$0x129D0] =	vst v0  }
0x600: {  	[tilespmem:$0x129E0] =	vst v0  }
0x601: {  	[tilespmem:$0x129F0] =	vst v0  }
0x602: {  	[tilespmem:$0x12A00] =	vst v0  }
0x603: {  	[tilespmem:$0x12A10] =	vst v0  }
0x604: {  	[tilespmem:$0x12A20] =	vst v0  }
0x605: {  	[tilespmem:$0x12A30] =	vst v0  }
0x606: {  	[tilespmem:$0x12A40] =	vst v0  }
0x607: {  	[tilespmem:$0x12A50] =	vst v0  }
0x608: {  	[tilespmem:$0x12A60] =	vst v0  }
0x609: {  	[tilespmem:$0x12A70] =	vst v0  }
0x60a: {  	[tilespmem:$0x12A80] =	vst v0  }
0x60b: {  	[tilespmem:$0x12A90] =	vst v0  }
0x60c: {  	[tilespmem:$0x12AA0] =	vst v0  }
0x60d: {  	[tilespmem:$0x12AB0] =	vst v0  }
0x60e: {  	[tilespmem:$0x12AC0] =	vst v0  }
0x60f: {  	[tilespmem:$0x12AD0] =	vst v0  }
0x610: {  	[tilespmem:$0x12AE0] =	vst v0  }
0x611: {  	[tilespmem:$0x12AF0] =	vst v0  }
0x612: {  	[tilespmem:$0x12B00] =	vst v0  }
0x613: {  	[tilespmem:$0x12B10] =	vst v0  }
0x614: {  	[tilespmem:$0x12B20] =	vst v0  }
0x615: {  	[tilespmem:$0x12B30] =	vst v0  }
0x616: {  	[tilespmem:$0x12B40] =	vst v0  }
0x617: {  	[tilespmem:$0x12B50] =	vst v0  }
0x618: {  	[tilespmem:$0x12B60] =	vst v0  }
0x619: {  	[tilespmem:$0x12B70] =	vst v0  }
0x61a: {  	[tilespmem:$0x12B80] =	vst v0  }
0x61b: {  	[tilespmem:$0x12B90] =	vst v0  }
0x61c: {  	[tilespmem:$0x12BA0] =	vst v0  }
0x61d: {  	[tilespmem:$0x12BB0] =	vst v0  }
0x61e: {  	[tilespmem:$0x12BC0] =	vst v0  }
0x61f: {  	[tilespmem:$0x12BD0] =	vst v0  }
0x620: {  	[tilespmem:$0x12BE0] =	vst v0  }
0x621: {  	[tilespmem:$0x12BF0] =	vst v0  }
0x622: {  	[tilespmem:$0x12C00] =	vst v0  }
0x623: {  	[tilespmem:$0x12C10] =	vst v0  }
0x624: {  	[tilespmem:$0x12C20] =	vst v0  }
0x625: {  	[tilespmem:$0x12C30] =	vst v0  }
0x626: {  	[tilespmem:$0x12C40] =	vst v0  }
0x627: {  	[tilespmem:$0x12C50] =	vst v0  }
0x628: {  	[tilespmem:$0x12C60] =	vst v0  }
0x629: {  	[tilespmem:$0x12C70] =	vst v0  }
0x62a: {  	[tilespmem:$0x12C80] =	vst v0  }
0x62b: {  	[tilespmem:$0x12C90] =	vst v0  }
0x62c: {  	[tilespmem:$0x12CA0] =	vst v0  }
0x62d: {  	[tilespmem:$0x12CB0] =	vst v0  }
0x62e: {  	[tilespmem:$0x12CC0] =	vst v0  }
0x62f: {  	[tilespmem:$0x12CD0] =	vst v0  }
0x630: {  	[tilespmem:$0x12CE0] =	vst v0  }
0x631: {  	[tilespmem:$0x12CF0] =	vst v0  }
0x632: {  	[tilespmem:$0x12D00] =	vst v0  }
0x633: {  	[tilespmem:$0x12D10] =	vst v0  }
0x634: {  	[tilespmem:$0x12D20] =	vst v0  }
0x635: {  	[tilespmem:$0x12D30] =	vst v0  }
0x636: {  	[tilespmem:$0x12D40] =	vst v0  }
0x637: {  	[tilespmem:$0x12D50] =	vst v0  }
0x638: {  	[tilespmem:$0x12D60] =	vst v0  }
0x639: {  	[tilespmem:$0x12D70] =	vst v0  }
0x63a: {  	[tilespmem:$0x12D80] =	vst v0  }
0x63b: {  	[tilespmem:$0x12D90] =	vst v0  }
0x63c: {  	[tilespmem:$0x12DA0] =	vst v0  }
0x63d: {  	[tilespmem:$0x12DB0] =	vst v0  }
0x63e: {  	[tilespmem:$0x12DC0] =	vst v0  }
0x63f: {  	[tilespmem:$0x12DD0] =	vst v0  }
0x640: {  	[tilespmem:$0x12DE0] =	vst v0  }
0x641: {  	[tilespmem:$0x12DF0] =	vst v0  }
0x642: {  	[tilespmem:$0x12E00] =	vst v0  }
0x643: {  	[tilespmem:$0x12E10] =	vst v0  }
0x644: {  	[tilespmem:$0x12E20] =	vst v0  }
0x645: {  	[tilespmem:$0x12E30] =	vst v0  }
0x646: {  	[tilespmem:$0x12E40] =	vst v0  }
0x647: {  	[tilespmem:$0x12E50] =	vst v0  }
0x648: {  	[tilespmem:$0x12E60] =	vst v0  }
0x649: {  	[tilespmem:$0x12E70] =	vst v0  }
0x64a: {  	[tilespmem:$0x12E80] =	vst v0  }
0x64b: {  	[tilespmem:$0x12E90] =	vst v0  }
0x64c: {  	[tilespmem:$0x12EA0] =	vst v0  }
0x64d: {  	[tilespmem:$0x12EB0] =	vst v0  }
0x64e: {  	[tilespmem:$0x12EC0] =	vst v0  }
0x64f: {  	[tilespmem:$0x12ED0] =	vst v0  }
0x650: {  	[tilespmem:$0x12EE0] =	vst v0  }
0x651: {  	[tilespmem:$0x12EF0] =	vst v0  }
0x652: {  	[tilespmem:$0x12F00] =	vst v0  }
0x653: {  	[tilespmem:$0x12F10] =	vst v0  }
0x654: {  	[tilespmem:$0x12F20] =	vst v0  }
0x655: {  	[tilespmem:$0x12F30] =	vst v0  }
0x656: {  	[tilespmem:$0x12F40] =	vst v0  }
0x657: {  	[tilespmem:$0x12F50] =	vst v0  }
0x658: {  	[tilespmem:$0x12F60] =	vst v0  }
0x659: {  	[tilespmem:$0x12F70] =	vst v0  }
0x65a: {  	[tilespmem:$0x12F80] =	vst v0  }
0x65b: {  	[tilespmem:$0x12F90] =	vst v0  }
0x65c: {  	[tilespmem:$0x12FA0] =	vst v0  }
0x65d: {  	[tilespmem:$0x12FB0] =	vst v0  }
0x65e: {  	[tilespmem:$0x12FC0] =	vst v0  }
0x65f: {  	[tilespmem:$0x12FD0] =	vst v0  }
0x660: {  	[tilespmem:$0x12FE0] =	vst v0  }
0x661: {  	[tilespmem:$0x12FF0] =	vst v0  }
0x662: {  	[tilespmem:$0x13000] =	vst v0  }
0x663: {  	[tilespmem:$0x13010] =	vst v0  }
0x664: {  	[tilespmem:$0x13020] =	vst v0  }
0x665: {  	[tilespmem:$0x13030] =	vst v0  }
0x666: {  	[tilespmem:$0x13040] =	vst v0  }
0x667: {  	[tilespmem:$0x13050] =	vst v0  }
0x668: {  	[tilespmem:$0x13060] =	vst v0  }
0x669: {  	[tilespmem:$0x13070] =	vst v0  }
0x66a: {  	[tilespmem:$0x13080] =	vst v0  }
0x66b: {  	[tilespmem:$0x13090] =	vst v0  }
0x66c: {  	[tilespmem:$0x130A0] =	vst v0  }
0x66d: {  	[tilespmem:$0x130B0] =	vst v0  }
0x66e: {  	[tilespmem:$0x130C0] =	vst v0  }
0x66f: {  	[tilespmem:$0x130D0] =	vst v0  }
0x670: {  	[tilespmem:$0x130E0] =	vst v0  }
0x671: {  	[tilespmem:$0x130F0] =	vst v0  }
0x672: {  	[tilespmem:$0x13100] =	vst v0  }
0x673: {  	[tilespmem:$0x13110] =	vst v0  }
0x674: {  	[tilespmem:$0x13120] =	vst v0  }
0x675: {  	[tilespmem:$0x13130] =	vst v0  }
0x676: {  	[tilespmem:$0x13140] =	vst v0  }
0x677: {  	[tilespmem:$0x13150] =	vst v0  }
0x678: {  	[tilespmem:$0x13160] =	vst v0  }
0x679: {  	[tilespmem:$0x13170] =	vst v0  }
0x67a: {  	[tilespmem:$0x13180] =	vst v0  }
0x67b: {  	[tilespmem:$0x13190] =	vst v0  }
0x67c: {  	[tilespmem:$0x131A0] =	vst v0  }
0x67d: {  	[tilespmem:$0x131B0] =	vst v0  }
0x67e: {  	[tilespmem:$0x131C0] =	vst v0  }
0x67f: {  	[tilespmem:$0x131D0] =	vst v0  }
0x680: {  	[tilespmem:$0x131E0] =	vst v0  }
0x681: {  	[tilespmem:$0x131F0] =	vst v0  }
0x682: {  	[tilespmem:$0x13200] =	vst v0  }
0x683: {  	[tilespmem:$0x13210] =	vst v0  }
0x684: {  	[tilespmem:$0x13220] =	vst v0  }
0x685: {  	[tilespmem:$0x13230] =	vst v0  }
0x686: {  	[tilespmem:$0x13240] =	vst v0  }
0x687: {  	[tilespmem:$0x13250] =	vst v0  }
0x688: {  	[tilespmem:$0x13260] =	vst v0  }
0x689: {  	[tilespmem:$0x13270] =	vst v0  }
0x68a: {  	[tilespmem:$0x13280] =	vst v0  }
0x68b: {  	[tilespmem:$0x13290] =	vst v0  }
0x68c: {  	[tilespmem:$0x132A0] =	vst v0  }
0x68d: {  	[tilespmem:$0x132B0] =	vst v0  }
0x68e: {  	[tilespmem:$0x132C0] =	vst v0  }
0x68f: {  	[tilespmem:$0x132D0] =	vst v0  }
0x690: {  	[tilespmem:$0x132E0] =	vst v0  }
0x691: {  	[tilespmem:$0x132F0] =	vst v0  }
0x692: {  	[tilespmem:$0x13300] =	vst v0  }
0x693: {  	[tilespmem:$0x13310] =	vst v0  }
0x694: {  	[tilespmem:$0x13320] =	vst v0  }
0x695: {  	[tilespmem:$0x13330] =	vst v0  }
0x696: {  	[tilespmem:$0x13340] =	vst v0  }
0x697: {  	[tilespmem:$0x13350] =	vst v0  }
0x698: {  	[tilespmem:$0x13360] =	vst v0  }
0x699: {  	[tilespmem:$0x13370] =	vst v0  }
0x69a: {  	[tilespmem:$0x13380] =	vst v0  }
0x69b: {  	[tilespmem:$0x13390] =	vst v0  }
0x69c: {  	[tilespmem:$0x133A0] =	vst v0  }
0x69d: {  	[tilespmem:$0x133B0] =	vst v0  }
0x69e: {  	[tilespmem:$0x133C0] =	vst v0  }
0x69f: {  	[tilespmem:$0x133D0] =	vst v0  }
0x6a0: {  	[tilespmem:$0x133E0] =	vst v0  }
0x6a1: {  	[tilespmem:$0x133F0] =	vst v0  }
0x6a2: {  	[tilespmem:$0x13400] =	vst v0  }
0x6a3: {  	[tilespmem:$0x13410] =	vst v0  }
0x6a4: {  	[tilespmem:$0x13420] =	vst v0  }
0x6a5: {  	[tilespmem:$0x13430] =	vst v0  }
0x6a6: {  	[tilespmem:$0x13440] =	vst v0  }
0x6a7: {  	[tilespmem:$0x13450] =	vst v0  }
0x6a8: {  	[tilespmem:$0x13460] =	vst v0  }
0x6a9: {  	[tilespmem:$0x13470] =	vst v0  }
0x6aa: {  	[tilespmem:$0x13480] =	vst v0  }
0x6ab: {  	[tilespmem:$0x13490] =	vst v0  }
0x6ac: {  	[tilespmem:$0x134A0] =	vst v0  }
0x6ad: {  	[tilespmem:$0x134B0] =	vst v0  }
0x6ae: {  	[tilespmem:$0x134C0] =	vst v0  }
0x6af: {  	[tilespmem:$0x134D0] =	vst v0  }
0x6b0: {  	[tilespmem:$0x134E0] =	vst v0  }
0x6b1: {  	[tilespmem:$0x134F0] =	vst v0  }
0x6b2: {  	[tilespmem:$0x13500] =	vst v0  }
0x6b3: {  	[tilespmem:$0x13510] =	vst v0  }
0x6b4: {  	[tilespmem:$0x13520] =	vst v0  }
0x6b5: {  	[tilespmem:$0x13530] =	vst v0  }
0x6b6: {  	[tilespmem:$0x13540] =	vst v0  }
0x6b7: {  	[tilespmem:$0x13550] =	vst v0  }
0x6b8: {  	[tilespmem:$0x13560] =	vst v0  }
0x6b9: {  	[tilespmem:$0x13570] =	vst v0  }
0x6ba: {  	[tilespmem:$0x13580] =	vst v0  }
0x6bb: {  	[tilespmem:$0x13590] =	vst v0  }
0x6bc: {  	[tilespmem:$0x135A0] =	vst v0  }
0x6bd: {  	[tilespmem:$0x135B0] =	vst v0  }
0x6be: {  	[tilespmem:$0x135C0] =	vst v0  }
0x6bf: {  	[tilespmem:$0x135D0] =	vst v0  }
0x6c0: {  	[tilespmem:$0x135E0] =	vst v0  }
0x6c1: {  	[tilespmem:$0x135F0] =	vst v0  }
0x6c2: {  	[tilespmem:$0x13600] =	vst v0  }
0x6c3: {  	[tilespmem:$0x13610] =	vst v0  }
0x6c4: {  	[tilespmem:$0x13620] =	vst v0  }
0x6c5: {  	[tilespmem:$0x13630] =	vst v0  }
0x6c6: {  	[tilespmem:$0x13640] =	vst v0  }
0x6c7: {  	[tilespmem:$0x13650] =	vst v0  }
0x6c8: {  	[tilespmem:$0x13660] =	vst v0  }
0x6c9: {  	[tilespmem:$0x13670] =	vst v0  }
0x6ca: {  	[tilespmem:$0x13680] =	vst v0  }
0x6cb: {  	[tilespmem:$0x13690] =	vst v0  }
0x6cc: {  	[tilespmem:$0x136A0] =	vst v0  }
0x6cd: {  	[tilespmem:$0x136B0] =	vst v0  }
0x6ce: {  	[tilespmem:$0x136C0] =	vst v0  }
0x6cf: {  	[tilespmem:$0x136D0] =	vst v0  }
0x6d0: {  	[tilespmem:$0x136E0] =	vst v0  }
0x6d1: {  	[tilespmem:$0x136F0] =	vst v0  }
0x6d2: {  	[tilespmem:$0x13700] =	vst v0  }
0x6d3: {  	[tilespmem:$0x13710] =	vst v0  }
0x6d4: {  	[tilespmem:$0x13720] =	vst v0  }
0x6d5: {  	[tilespmem:$0x13730] =	vst v0  }
0x6d6: {  	[tilespmem:$0x13740] =	vst v0  }
0x6d7: {  	[tilespmem:$0x13750] =	vst v0  }
0x6d8: {  	[tilespmem:$0x13760] =	vst v0  }
0x6d9: {  	[tilespmem:$0x13770] =	vst v0  }
0x6da: {  	[tilespmem:$0x13780] =	vst v0  }
0x6db: {  	[tilespmem:$0x13790] =	vst v0  }
0x6dc: {  	[tilespmem:$0x137A0] =	vst v0  }
0x6dd: {  	[tilespmem:$0x137B0] =	vst v0  }
0x6de: {  	[tilespmem:$0x137C0] =	vst v0  }
0x6df: {  	[tilespmem:$0x137D0] =	vst v0  }
0x6e0: {  	[tilespmem:$0x137E0] =	vst v0  }
0x6e1: {  	[tilespmem:$0x137F0] =	vst v0  }
0x6e2: {  	[tilespmem:$0x13800] =	vst v0  }
0x6e3: {  	[tilespmem:$0x13810] =	vst v0  }
0x6e4: {  	[tilespmem:$0x13820] =	vst v0  }
0x6e5: {  	[tilespmem:$0x13830] =	vst v0  }
0x6e6: {  	[tilespmem:$0x13840] =	vst v0  }
0x6e7: {  	[tilespmem:$0x13850] =	vst v0  }
0x6e8: {  	[tilespmem:$0x13860] =	vst v0  }
0x6e9: {  	[tilespmem:$0x13870] =	vst v0  }
0x6ea: {  	[tilespmem:$0x13880] =	vst v0  }
0x6eb: {  	[tilespmem:$0x13890] =	vst v0  }
0x6ec: {  	[tilespmem:$0x138A0] =	vst v0  }
0x6ed: {  	[tilespmem:$0x138B0] =	vst v0  }
0x6ee: {  	[tilespmem:$0x138C0] =	vst v0  }
0x6ef: {  	[tilespmem:$0x138D0] =	vst v0  }
0x6f0: {  	[tilespmem:$0x138E0] =	vst v0  }
0x6f1: {  	[tilespmem:$0x138F0] =	vst v0  }
0x6f2: {  	[tilespmem:$0x13900] =	vst v0  }
0x6f3: {  	[tilespmem:$0x13910] =	vst v0  }
0x6f4: {  	[tilespmem:$0x13920] =	vst v0  }
0x6f5: {  	[tilespmem:$0x13930] =	vst v0  }
0x6f6: {  	[tilespmem:$0x13940] =	vst v0  }
0x6f7: {  	[tilespmem:$0x13950] =	vst v0  }
0x6f8: {  	[tilespmem:$0x13960] =	vst v0  }
0x6f9: {  	[tilespmem:$0x13970] =	vst v0  }
0x6fa: {  	[tilespmem:$0x13980] =	vst v0  }
0x6fb: {  	[tilespmem:$0x13990] =	vst v0  }
0x6fc: {  	[tilespmem:$0x139A0] =	vst v0  }
0x6fd: {  	[tilespmem:$0x139B0] =	vst v0  }
0x6fe: {  	[tilespmem:$0x139C0] =	vst v0  }
0x6ff: {  	[tilespmem:$0x139D0] =	vst v0  }
0x700: {  	[tilespmem:$0x139E0] =	vst v0  }
0x701: {  	[tilespmem:$0x139F0] =	vst v0  }
0x702: {  	[tilespmem:$0x13A00] =	vst v0  }
0x703: {  	[tilespmem:$0x13A10] =	vst v0  }
0x704: {  	[tilespmem:$0x13A20] =	vst v0  }
0x705: {  	[tilespmem:$0x13A30] =	vst v0  }
0x706: {  	[tilespmem:$0x13A40] =	vst v0  }
0x707: {  	[tilespmem:$0x13A50] =	vst v0  }
0x708: {  	[tilespmem:$0x13A60] =	vst v0  }
0x709: {  	[tilespmem:$0x13A70] =	vst v0  }
0x70a: {  	[tilespmem:$0x13A80] =	vst v0  }
0x70b: {  	[tilespmem:$0x13A90] =	vst v0  }
0x70c: {  	[tilespmem:$0x13AA0] =	vst v0  }
0x70d: {  	[tilespmem:$0x13AB0] =	vst v0  }
0x70e: {  	[tilespmem:$0x13AC0] =	vst v0  }
0x70f: {  	[tilespmem:$0x13AD0] =	vst v0  }
0x710: {  	[tilespmem:$0x13AE0] =	vst v0  }
0x711: {  	[tilespmem:$0x13AF0] =	vst v0  }
0x712: {  	[tilespmem:$0x13B00] =	vst v0  }
0x713: {  	[tilespmem:$0x13B10] =	vst v0  }
0x714: {  	[tilespmem:$0x13B20] =	vst v0  }
0x715: {  	[tilespmem:$0x13B30] =	vst v0  }
0x716: {  	[tilespmem:$0x13B40] =	vst v0  }
0x717: {  	[tilespmem:$0x13B50] =	vst v0  }
0x718: {  	[tilespmem:$0x13B60] =	vst v0  }
0x719: {  	[tilespmem:$0x13B70] =	vst v0  }
0x71a: {  	[tilespmem:$0x13B80] =	vst v0  }
0x71b: {  	[tilespmem:$0x13B90] =	vst v0  }
0x71c: {  	[tilespmem:$0x13BA0] =	vst v0  }
0x71d: {  	[tilespmem:$0x13BB0] =	vst v0  }
0x71e: {  	[tilespmem:$0x13BC0] =	vst v0  }
0x71f: {  	[tilespmem:$0x13BD0] =	vst v0  }
0x720: {  	[tilespmem:$0x13BE0] =	vst v0  }
0x721: {  	[tilespmem:$0x13BF0] =	vst v0  }
0x722: {  	[tilespmem:$0x13C00] =	vst v0  }
0x723: {  	[tilespmem:$0x13C10] =	vst v0  }
0x724: {  	[tilespmem:$0x13C20] =	vst v0  }
0x725: {  	[tilespmem:$0x13C30] =	vst v0  }
0x726: {  	[tilespmem:$0x13C40] =	vst v0  }
0x727: {  	[tilespmem:$0x13C50] =	vst v0  }
0x728: {  	[tilespmem:$0x13C60] =	vst v0  }
0x729: {  	[tilespmem:$0x13C70] =	vst v0  }
0x72a: {  	[tilespmem:$0x13C80] =	vst v0  }
0x72b: {  	[tilespmem:$0x13C90] =	vst v0  }
0x72c: {  	[tilespmem:$0x13CA0] =	vst v0  }
0x72d: {  	[tilespmem:$0x13CB0] =	vst v0  }
0x72e: {  	[tilespmem:$0x13CC0] =	vst v0  }
0x72f: {  	[tilespmem:$0x13CD0] =	vst v0  }
0x730: {  	[tilespmem:$0x13CE0] =	vst v0  }
0x731: {  	[tilespmem:$0x13CF0] =	vst v0  }
0x732: {  	[tilespmem:$0x13D00] =	vst v0  }
0x733: {  	[tilespmem:$0x13D10] =	vst v0  }
0x734: {  	[tilespmem:$0x13D20] =	vst v0  }
0x735: {  	[tilespmem:$0x13D30] =	vst v0  }
0x736: {  	[tilespmem:$0x13D40] =	vst v0  }
0x737: {  	[tilespmem:$0x13D50] =	vst v0  }
0x738: {  	[tilespmem:$0x13D60] =	vst v0  }
0x739: {  	[tilespmem:$0x13D70] =	vst v0  }
0x73a: {  	[tilespmem:$0x13D80] =	vst v0  }
0x73b: {  	[tilespmem:$0x13D90] =	vst v0  }
0x73c: {  	[tilespmem:$0x13DA0] =	vst v0  }
0x73d: {  	[tilespmem:$0x13DB0] =	vst v0  }
0x73e: {  	[tilespmem:$0x13DC0] =	vst v0  }
0x73f: {  	[tilespmem:$0x13DD0] =	vst v0  }
0x740: {  	[tilespmem:$0x13DE0] =	vst v0  }
0x741: {  	[tilespmem:$0x13DF0] =	vst v0  }
0x742: {  	[tilespmem:$0x13E00] =	vst v0  }
0x743: {  	[tilespmem:$0x13E10] =	vst v0  }
0x744: {  	[tilespmem:$0x13E20] =	vst v0  }
0x745: {  	[tilespmem:$0x13E30] =	vst v0  }
0x746: {  	[tilespmem:$0x13E40] =	vst v0  }
0x747: {  	[tilespmem:$0x13E50] =	vst v0  }
0x748: {  	[tilespmem:$0x13E60] =	vst v0  }
0x749: {  	[tilespmem:$0x13E70] =	vst v0  }
0x74a: {  	[tilespmem:$0x13E80] =	vst v0  }
0x74b: {  	[tilespmem:$0x13E90] =	vst v0  }
0x74c: {  	[tilespmem:$0x13EA0] =	vst v0  }
0x74d: {  	[tilespmem:$0x13EB0] =	vst v0  }
0x74e: {  	[tilespmem:$0x13EC0] =	vst v0  }
0x74f: {  	[tilespmem:$0x13ED0] =	vst v0  }
0x750: {  	[tilespmem:$0x13EE0] =	vst v0  }
0x751: {  	[tilespmem:$0x13EF0] =	vst v0  }
0x752: {  	[tilespmem:$0x13F00] =	vst v0  }
0x753: {  	[tilespmem:$0x13F10] =	vst v0  }
0x754: {  	[tilespmem:$0x13F20] =	vst v0  }
0x755: {  	[tilespmem:$0x13F30] =	vst v0  }
0x756: {  	[tilespmem:$0x13F40] =	vst v0  }
0x757: {  	[tilespmem:$0x13F50] =	vst v0  }
0x758: {  	[tilespmem:$0x13F60] =	vst v0  }
0x759: {  	[tilespmem:$0x13F70] =	vst v0  }
0x75a: {  	[tilespmem:$0x13F80] =	vst v0  }
0x75b: {  	[tilespmem:$0x13F90] =	vst v0  }
0x75c: {  	[tilespmem:$0x13FA0] =	vst v0  }
0x75d: {  	[tilespmem:$0x13FB0] =	vst v0  }
0x75e: {  	[tilespmem:$0x13FC0] =	vst v0  }
0x75f: {  	[tilespmem:$0x13FD0] =	vst v0  }
0x760: {  	[tilespmem:$0x13FE0] =	vst v0  }
0x761: {  	[tilespmem:$0x13FF0] =	vst v0  }
0x762: {  	[tilespmem:$0x14000] =	vst v0  }
0x763: {  	[tilespmem:$0x14010] =	vst v0  }
0x764: {  	[tilespmem:$0x14020] =	vst v0  }
0x765: {  	[tilespmem:$0x14030] =	vst v0  }
0x766: {  	[tilespmem:$0x14040] =	vst v0  }
0x767: {  	[tilespmem:$0x14050] =	vst v0  }
0x768: {  	[tilespmem:$0x14060] =	vst v0  }
0x769: {  	[tilespmem:$0x14070] =	vst v0  }
0x76a: {  	[tilespmem:$0x14080] =	vst v0  }
0x76b: {  	[tilespmem:$0x14090] =	vst v0  }
0x76c: {  	[tilespmem:$0x140A0] =	vst v0  }
0x76d: {  	[tilespmem:$0x140B0] =	vst v0  }
0x76e: {  	[tilespmem:$0x140C0] =	vst v0  }
0x76f: {  	[tilespmem:$0x140D0] =	vst v0  }
0x770: {  	[tilespmem:$0x140E0] =	vst v0  }
0x771: {  	[tilespmem:$0x140F0] =	vst v0  }
0x772: {  	[tilespmem:$0x14100] =	vst v0  }
0x773: {  	[tilespmem:$0x14110] =	vst v0  }
0x774: {  	[tilespmem:$0x14120] =	vst v0  }
0x775: {  	[tilespmem:$0x14130] =	vst v0  }
0x776: {  	[tilespmem:$0x14140] =	vst v0  }
0x777: {  	[tilespmem:$0x14150] =	vst v0  }
0x778: {  	[tilespmem:$0x14160] =	vst v0  }
0x779: {  	[tilespmem:$0x14170] =	vst v0  }
0x77a: {  	[tilespmem:$0x14180] =	vst v0  }
0x77b: {  	[tilespmem:$0x14190] =	vst v0  }
0x77c: {  	[tilespmem:$0x141A0] =	vst v0  }
0x77d: {  	[tilespmem:$0x141B0] =	vst v0  }
0x77e: {  	[tilespmem:$0x141C0] =	vst v0  }
0x77f: {  	[tilespmem:$0x141D0] =	vst v0  }
0x780: {  	[tilespmem:$0x141E0] =	vst v0  }
0x781: {  	[tilespmem:$0x141F0] =	vst v0  }
0x782: {  	[tilespmem:$0x14200] =	vst v0  }
0x783: {  	[tilespmem:$0x14210] =	vst v0  }
0x784: {  	[tilespmem:$0x14220] =	vst v0  }
0x785: {  	[tilespmem:$0x14230] =	vst v0  }
0x786: {  	[tilespmem:$0x14240] =	vst v0  }
0x787: {  	[tilespmem:$0x14250] =	vst v0  }
0x788: {  	[tilespmem:$0x14260] =	vst v0  }
0x789: {  	[tilespmem:$0x14270] =	vst v0  }
0x78a: {  	[tilespmem:$0x14280] =	vst v0  }
0x78b: {  	[tilespmem:$0x14290] =	vst v0  }
0x78c: {  	[tilespmem:$0x142A0] =	vst v0  }
0x78d: {  	[tilespmem:$0x142B0] =	vst v0  }
0x78e: {  	[tilespmem:$0x142C0] =	vst v0  }
0x78f: {  	[tilespmem:$0x142D0] =	vst v0  }
0x790: {  	[tilespmem:$0x142E0] =	vst v0  }
0x791: {  	[tilespmem:$0x142F0] =	vst v0  }
0x792: {  	[tilespmem:$0x14300] =	vst v0  }
0x793: {  	[tilespmem:$0x14310] =	vst v0  }
0x794: {  	[tilespmem:$0x14320] =	vst v0  }
0x795: {  	[tilespmem:$0x14330] =	vst v0  }
0x796: {  	[tilespmem:$0x14340] =	vst v0  }
0x797: {  	[tilespmem:$0x14350] =	vst v0  }
0x798: {  	[tilespmem:$0x14360] =	vst v0  }
0x799: {  	[tilespmem:$0x14370] =	vst v0  }
0x79a: {  	[tilespmem:$0x14380] =	vst v0  }
0x79b: {  	[tilespmem:$0x14390] =	vst v0  }
0x79c: {  	[tilespmem:$0x143A0] =	vst v0  }
0x79d: {  	[tilespmem:$0x143B0] =	vst v0  }
0x79e: {  	[tilespmem:$0x143C0] =	vst v0  }
0x79f: {  	[tilespmem:$0x143D0] =	vst v0  }
0x7a0: {  	[tilespmem:$0x143E0] =	vst v0  }
0x7a1: {  	[tilespmem:$0x143F0] =	vst v0  }
0x7a2: {  	[tilespmem:$0x14400] =	vst v0  }
0x7a3: {  	[tilespmem:$0x14410] =	vst v0  }
0x7a4: {  	[tilespmem:$0x14420] =	vst v0  }
0x7a5: {  	[tilespmem:$0x14430] =	vst v0  }
0x7a6: {  	[tilespmem:$0x14440] =	vst v0  }
0x7a7: {  	[tilespmem:$0x14450] =	vst v0  }
0x7a8: {  	[tilespmem:$0x14460] =	vst v0  }
0x7a9: {  	[tilespmem:$0x14470] =	vst v0  }
0x7aa: {  	[tilespmem:$0x14480] =	vst v0  }
0x7ab: {  	[tilespmem:$0x14490] =	vst v0  }
0x7ac: {  	[tilespmem:$0x144A0] =	vst v0  }
0x7ad: {  	[tilespmem:$0x144B0] =	vst v0  }
0x7ae: {  	[tilespmem:$0x144C0] =	vst v0  }
0x7af: {  	[tilespmem:$0x144D0] =	vst v0  }
0x7b0: {  	[tilespmem:$0x144E0] =	vst v0  }
0x7b1: {  	[tilespmem:$0x144F0] =	vst v0  }
0x7b2: {  	[tilespmem:$0x14500] =	vst v0  }
0x7b3: {  	[tilespmem:$0x14510] =	vst v0  }
0x7b4: {  	[tilespmem:$0x14520] =	vst v0  }
0x7b5: {  	[tilespmem:$0x14530] =	vst v0  }
0x7b6: {  	[tilespmem:$0x14540] =	vst v0  }
0x7b7: {  	[tilespmem:$0x14550] =	vst v0  }
0x7b8: {  	[tilespmem:$0x14560] =	vst v0  }
0x7b9: {  	[tilespmem:$0x14570] =	vst v0  }
0x7ba: {  	[tilespmem:$0x14580] =	vst v0  }
0x7bb: {  	[tilespmem:$0x14590] =	vst v0  }
0x7bc: {  	[tilespmem:$0x145A0] =	vst v0  }
0x7bd: {  	[tilespmem:$0x145B0] =	vst v0  }
0x7be: {  	[tilespmem:$0x145C0] =	vst v0  }
0x7bf: {  	[tilespmem:$0x145D0] =	vst v0  }
0x7c0: {  	[tilespmem:$0x145E0] =	vst v0  }
0x7c1: {  	[tilespmem:$0x145F0] =	vst v0  }
0x7c2: {  	[tilespmem:$0x14600] =	vst v0  }
0x7c3: {  	[tilespmem:$0x14610] =	vst v0  }
0x7c4: {  	[tilespmem:$0x14620] =	vst v0  }
0x7c5: {  	[tilespmem:$0x14630] =	vst v0  }
0x7c6: {  	[tilespmem:$0x14640] =	vst v0  }
0x7c7: {  	[tilespmem:$0x14650] =	vst v0  }
0x7c8: {  	[tilespmem:$0x14660] =	vst v0  }
0x7c9: {  	[tilespmem:$0x14670] =	vst v0  }
0x7ca: {  	[tilespmem:$0x14680] =	vst v0  }
0x7cb: {  	[tilespmem:$0x14690] =	vst v0  }
0x7cc: {  	[tilespmem:$0x146A0] =	vst v0  }
0x7cd: {  	[tilespmem:$0x146B0] =	vst v0  }
0x7ce: {  	[tilespmem:$0x146C0] =	vst v0  }
0x7cf: {  	[tilespmem:$0x146D0] =	vst v0  }
0x7d0: {  	[tilespmem:$0x146E0] =	vst v0  }
0x7d1: {  	[tilespmem:$0x146F0] =	vst v0  }
0x7d2: {  	[tilespmem:$0x14700] =	vst v0  }
0x7d3: {  	[tilespmem:$0x14710] =	vst v0  }
0x7d4: {  	[tilespmem:$0x14720] =	vst v0  }
0x7d5: {  	[tilespmem:$0x14730] =	vst v0  }
0x7d6: {  	[tilespmem:$0x14740] =	vst v0  }
0x7d7: {  	[tilespmem:$0x14750] =	vst v0  }
0x7d8: {  	[tilespmem:$0x14760] =	vst v0  }
0x7d9: {  	[tilespmem:$0x14770] =	vst v0  }
0x7da: {  	[tilespmem:$0x14780] =	vst v0  }
0x7db: {  	[tilespmem:$0x14790] =	vst v0  }
0x7dc: {  	[tilespmem:$0x147A0] =	vst v0  }
0x7dd: {  	[tilespmem:$0x147B0] =	vst v0  }
0x7de: {  	[tilespmem:$0x147C0] =	vst v0  }
0x7df: {  	[tilespmem:$0x147D0] =	vst v0  }
0x7e0: {  	[tilespmem:$0x147E0] =	vst v0  }
0x7e1: {  	[tilespmem:$0x147F0] =	vst v0  }
0x7e2: {  	[tilespmem:$0x14800] =	vst v0  }
0x7e3: {  	[tilespmem:$0x14810] =	vst v0  }
0x7e4: {  	[tilespmem:$0x14820] =	vst v0  }
0x7e5: {  	[tilespmem:$0x14830] =	vst v0  }
0x7e6: {  	[tilespmem:$0x14840] =	vst v0  }
0x7e7: {  	[tilespmem:$0x14850] =	vst v0  }
0x7e8: {  	[tilespmem:$0x14860] =	vst v0  }
0x7e9: {  	[tilespmem:$0x14870] =	vst v0  }
0x7ea: {  	[tilespmem:$0x14880] =	vst v0  }
0x7eb: {  	[tilespmem:$0x14890] =	vst v0  }
0x7ec: {  	[tilespmem:$0x148A0] =	vst v0  }
0x7ed: {  	[tilespmem:$0x148B0] =	vst v0  }
0x7ee: {  	[tilespmem:$0x148C0] =	vst v0  }
0x7ef: {  	[tilespmem:$0x148D0] =	vst v0  }
0x7f0: {  	[tilespmem:$0x148E0] =	vst v0  }
0x7f1: {  	[tilespmem:$0x148F0] =	vst v0  }
0x7f2: {  	[tilespmem:$0x14900] =	vst v0  }
0x7f3: {  	[tilespmem:$0x14910] =	vst v0  }
0x7f4: {  	[tilespmem:$0x14920] =	vst v0  }
0x7f5: {  	[tilespmem:$0x14930] =	vst v0  }
0x7f6: {  	[tilespmem:$0x14940] =	vst v0  }
0x7f7: {  	[tilespmem:$0x14950] =	vst v0  }
0x7f8: {  	[tilespmem:$0x14960] =	vst v0  }
0x7f9: {  	[tilespmem:$0x14970] =	vst v0  }
0x7fa: {  	[tilespmem:$0x14980] =	vst v0  }
0x7fb: {  	[tilespmem:$0x14990] =	vst v0  }
0x7fc: {  	[tilespmem:$0x149A0] =	vst v0  }
0x7fd: {  	[tilespmem:$0x149B0] =	vst v0  }
0x7fe: {  	[tilespmem:$0x149C0] =	vst v0  }
0x7ff: {  	[tilespmem:$0x149D0] =	vst v0  }
0x800: {  	[tilespmem:$0x149E0] =	vst v0  }
0x801: {  	[tilespmem:$0x149F0] =	vst v0  }
0x802: {  	[tilespmem:$0x14A00] =	vst v0  }
0x803: {  	[tilespmem:$0x14A10] =	vst v0  }
0x804: {  	[tilespmem:$0x14A20] =	vst v0  }
0x805: {  	[tilespmem:$0x14A30] =	vst v0  }
0x806: {  	[tilespmem:$0x14A40] =	vst v0  }
0x807: {  	[tilespmem:$0x14A50] =	vst v0  }
0x808: {  	[tilespmem:$0x14A60] =	vst v0  }
0x809: {  	[tilespmem:$0x14A70] =	vst v0  }
0x80a: {  	[tilespmem:$0x14A80] =	vst v0  }
0x80b: {  	[tilespmem:$0x14A90] =	vst v0  }
0x80c: {  	[tilespmem:$0x14AA0] =	vst v0  }
0x80d: {  	[tilespmem:$0x14AB0] =	vst v0  }
0x80e: {  	[tilespmem:$0x14AC0] =	vst v0  }
0x80f: {  	[tilespmem:$0x14AD0] =	vst v0  }
0x810: {  	[tilespmem:$0x14AE0] =	vst v0  }
0x811: {  	[tilespmem:$0x14AF0] =	vst v0  }
0x812: {  	[tilespmem:$0x14B00] =	vst v0  }
0x813: {  	[tilespmem:$0x14B10] =	vst v0  }
0x814: {  	[tilespmem:$0x14B20] =	vst v0  }
0x815: {  	[tilespmem:$0x14B30] =	vst v0  }
0x816: {  	[tilespmem:$0x14B40] =	vst v0  }
0x817: {  	[tilespmem:$0x14B50] =	vst v0  }
0x818: {  	[tilespmem:$0x14B60] =	vst v0  }
0x819: {  	[tilespmem:$0x14B70] =	vst v0  }
0x81a: {  	[tilespmem:$0x14B80] =	vst v0  }
0x81b: {  	[tilespmem:$0x14B90] =	vst v0  }
0x81c: {  	[tilespmem:$0x14BA0] =	vst v0  }
0x81d: {  	[tilespmem:$0x14BB0] =	vst v0  }
0x81e: {  	[tilespmem:$0x14BC0] =	vst v0  }
0x81f: {  	[tilespmem:$0x14BD0] =	vst v0  }
0x820: {  	[tilespmem:$0x14BE0] =	vst v0  }
0x821: {  	[tilespmem:$0x14BF0] =	vst v0  }
0x822: {  	[tilespmem:$0x14C00] =	vst v0  }
0x823: {  	[tilespmem:$0x14C10] =	vst v0  }
0x824: {  	[tilespmem:$0x14C20] =	vst v0  }
0x825: {  	[tilespmem:$0x14C30] =	vst v0  }
0x826: {  	[tilespmem:$0x14C40] =	vst v0  }
0x827: {  	[tilespmem:$0x14C50] =	vst v0  }
0x828: {  	[tilespmem:$0x14C60] =	vst v0  }
0x829: {  	[tilespmem:$0x14C70] =	vst v0  }
0x82a: {  	[tilespmem:$0x14C80] =	vst v0  }
0x82b: {  	[tilespmem:$0x14C90] =	vst v0  }
0x82c: {  	[tilespmem:$0x14CA0] =	vst v0  }
0x82d: {  	[tilespmem:$0x14CB0] =	vst v0  }
0x82e: {  	[tilespmem:$0x14CC0] =	vst v0  }
0x82f: {  	[tilespmem:$0x14CD0] =	vst v0  }
0x830: {  	[tilespmem:$0x14CE0] =	vst v0  }
0x831: {  	[tilespmem:$0x14CF0] =	vst v0  }
0x832: {  	[tilespmem:$0x14D00] =	vst v0  }
0x833: {  	[tilespmem:$0x14D10] =	vst v0  }
0x834: {  	[tilespmem:$0x14D20] =	vst v0  }
0x835: {  	[tilespmem:$0x14D30] =	vst v0  }
0x836: {  	[tilespmem:$0x14D40] =	vst v0  }
0x837: {  	[tilespmem:$0x14D50] =	vst v0  }
0x838: {  	[tilespmem:$0x14D60] =	vst v0  }
0x839: {  	[tilespmem:$0x14D70] =	vst v0  }
0x83a: {  	[tilespmem:$0x14D80] =	vst v0  }
0x83b: {  	[tilespmem:$0x14D90] =	vst v0  }
0x83c: {  	[tilespmem:$0x14DA0] =	vst v0  }
0x83d: {  	[tilespmem:$0x14DB0] =	vst v0  }
0x83e: {  	[tilespmem:$0x14DC0] =	vst v0  }
0x83f: {  	[tilespmem:$0x14DD0] =	vst v0  }
0x840: {  	[tilespmem:$0x14DE0] =	vst v0  }
0x841: {  	[tilespmem:$0x14DF0] =	vst v0  }
0x842: {  	[tilespmem:$0x14E00] =	vst v0  }
0x843: {  	[tilespmem:$0x14E10] =	vst v0  }
0x844: {  	[tilespmem:$0x14E20] =	vst v0  }
0x845: {  	[tilespmem:$0x14E30] =	vst v0  }
0x846: {  	[tilespmem:$0x14E40] =	vst v0  }
0x847: {  	[tilespmem:$0x14E50] =	vst v0  }
0x848: {  	[tilespmem:$0x14E60] =	vst v0  }
0x849: {  	[tilespmem:$0x14E70] =	vst v0  }
0x84a: {  	[tilespmem:$0x14E80] =	vst v0  }
0x84b: {  	[tilespmem:$0x14E90] =	vst v0  }
0x84c: {  	[tilespmem:$0x14EA0] =	vst v0  }
0x84d: {  	[tilespmem:$0x14EB0] =	vst v0  }
0x84e: {  	[tilespmem:$0x14EC0] =	vst v0  }
0x84f: {  	[tilespmem:$0x14ED0] =	vst v0  }
0x850: {  	[tilespmem:$0x14EE0] =	vst v0  }
0x851: {  	[tilespmem:$0x14EF0] =	vst v0  }
0x852: {  	[tilespmem:$0x14F00] =	vst v0  }
0x853: {  	[tilespmem:$0x14F10] =	vst v0  }
0x854: {  	[tilespmem:$0x14F20] =	vst v0  }
0x855: {  	[tilespmem:$0x14F30] =	vst v0  }
0x856: {  	[tilespmem:$0x14F40] =	vst v0  }
0x857: {  	[tilespmem:$0x14F50] =	vst v0  }
0x858: {  	[tilespmem:$0x14F60] =	vst v0  }
0x859: {  	[tilespmem:$0x14F70] =	vst v0  }
0x85a: {  	[tilespmem:$0x14F80] =	vst v0  }
0x85b: {  	[tilespmem:$0x14F90] =	vst v0  }
0x85c: {  	[tilespmem:$0x14FA0] =	vst v0  }
0x85d: {  	[tilespmem:$0x14FB0] =	vst v0  }
0x85e: {  	[tilespmem:$0x14FC0] =	vst v0  }
0x85f: {  	[tilespmem:$0x14FD0] =	vst v0  }
0x860: {  	[tilespmem:$0x14FE0] =	vst v0  }
0x861: {  	[tilespmem:$0x14FF0] =	vst v0  }
0x862: {  	[tilespmem:$0x15000] =	vst v0  }
0x863: {  	[tilespmem:$0x15010] =	vst v0  }
0x864: {  	[tilespmem:$0x15020] =	vst v0  }
0x865: {  	[tilespmem:$0x15030] =	vst v0  }
0x866: {  	[tilespmem:$0x15040] =	vst v0  }
0x867: {  	[tilespmem:$0x15050] =	vst v0  }
0x868: {  	[tilespmem:$0x15060] =	vst v0  }
0x869: {  	[tilespmem:$0x15070] =	vst v0  }
0x86a: {  	[tilespmem:$0x15080] =	vst v0  }
0x86b: {  	[tilespmem:$0x15090] =	vst v0  }
0x86c: {  	[tilespmem:$0x150A0] =	vst v0  }
0x86d: {  	[tilespmem:$0x150B0] =	vst v0  }
0x86e: {  	[tilespmem:$0x150C0] =	vst v0  }
0x86f: {  	[tilespmem:$0x150D0] =	vst v0  }
0x870: {  	[tilespmem:$0x150E0] =	vst v0  }
0x871: {  	[tilespmem:$0x150F0] =	vst v0  }
0x872: {  	[tilespmem:$0x15100] =	vst v0  }
0x873: {  	[tilespmem:$0x15110] =	vst v0  }
0x874: {  	[tilespmem:$0x15120] =	vst v0  }
0x875: {  	[tilespmem:$0x15130] =	vst v0  }
0x876: {  	[tilespmem:$0x15140] =	vst v0  }
0x877: {  	[tilespmem:$0x15150] =	vst v0  }
0x878: {  	[tilespmem:$0x15160] =	vst v0  }
0x879: {  	[tilespmem:$0x15170] =	vst v0  }
0x87a: {  	[tilespmem:$0x15180] =	vst v0  }
0x87b: {  	[tilespmem:$0x15190] =	vst v0  }
0x87c: {  	[tilespmem:$0x151A0] =	vst v0  }
0x87d: {  	[tilespmem:$0x151B0] =	vst v0  }
0x87e: {  	[tilespmem:$0x151C0] =	vst v0  }
0x87f: {  	[tilespmem:$0x151D0] =	vst v0  }
0x880: {  	[tilespmem:$0x151E0] =	vst v0  }
.Ltmp3:
0x881: {  	[tilespmem:$0x151F0] =	vst v0;
	(pc) =	sbr.rel .LBB2_3-.Ltmp3, $4  }
0x882: {  	[spmem:s1] =	stream.linear.scatter [tilespmem:s21], [sflag:$0x1], $0x8000, $0x38;
	[tilespmem:$0x15A00] =	vst v63  }
0x883: {  	_ =	swait.ge [sflag:s22], $0x8000  }
0x884: {  	[sflag:s22] =	ssyncset.done $0x0  }
0x885: {  	[sflag:s22] =	ssyncadd.s32 $0xFFFF8000  }
.LBB2_4:
0x886: {  	_ =	sfence.sel $0x180000  }
0x887: {  	[bflag:$0x0] =	sbarrier.arrive $0xFFFF  }
0x888: {  	_ =	strace $0x90000047  }
0x889: {  	s0 =	sadd.s32 @!p0 $0x100000, s0;
	[bflag:$0x2] =	sbarrier.arrive $0xFFFF  }
0x88a: {  	[sflag:s0] =	ssyncadd.tile.s32 @!p0 $0x1;
	_ =	shalt  }
.Lfunc_end2:
_tile_overlayer_lowered:
.L_overlay_start_2:
0x88b: {  	(tag) =	ssettag $0x2  }
0x88c: {  	s0 =	rddreg [dreg:$0x0];
	s2 =	stileid.u32  }
0x88d: {  	s1 =	rddreg [dreg:$0x1];
	p0 =	sne.s32 s2, $0x0  }
0x88e: {  	s3 =	rddreg [dreg:$0x2];
	[bflag:$0x3] =	sbarrier.arrive $0xFFFF;
	s2 =	simm.s32 @!p0 $0x1C01  }
0x88f: {  	[timem:s3], [sflag:s2] =	dma.local @!p0 [hbm:s0], s1  }
0x890: {  	s0 =	simm.s32 @!p0 $0x1  }
0x891: {  	_ =	swait.ge @!p0 [sflag:s0], s1  }
0x892: {  	s1 =	ssub.s32 @!p0 $0x0, s1;
	[sflag:s0] =	ssyncset.done @!p0 $0x0  }
0x893: {  	[sflag:s0] =	ssyncadd.s32 @!p0 s1  }
0x894: {  	[bflag:$0x3] =	sbarrier.arrive $0xFFFF  }
0x895: {  	_ =	shalt  }

</sc_bundles>
